<compile_context>
chip_gen: v7x
topology: tpu7x:2x2x1
jax: 0.10.2.dev20260603
libtpu: 0.0.44.dev20260713+nightly
codegen_flags: <defaults>
</compile_context>

<pallas_src>
import functools

import jax
import jax.numpy as jnp
from jax import lax
from jax.experimental import pallas as pl
from jax.experimental.pallas import tpu as pltpu
from jax.experimental.pallas import tpu_sc as plsc


@functools.cache
def _build(B, V, D):
    info = plsc.get_sparse_core_info()
    NC, NS = info.num_cores, info.num_subcores
    NW = NC * NS
    b_per_w = B // NW
    stage = max(64, -(-V // NS))
    mesh = plsc.VectorSubcoreMesh(core_axis_name="c", subcore_axis_name="s")

    chunk = 64
    n_chunks = b_per_w // chunk

    @functools.partial(
        pl.kernel,
        mesh=mesh,
        out_type=jax.ShapeDtypeStruct((B, D), jnp.float32),
        scratch_types=[
            pltpu.VMEM((n_chunks, chunk), jnp.int32),
            pltpu.VMEM((n_chunks // 2, 2 * chunk, D), jnp.float32),
            pltpu.VMEM_SHARED((V, D), jnp.float32),
            pltpu.SemaphoreType.DMA,
            pltpu.SemaphoreType.DMA((n_chunks,)),
            pltpu.SemaphoreType.DMA,
        ],
    )
    def k(idx_hbm, table_hbm, out_hbm, idx_v, rows_v, table_sh, isem, gsem, wsem):
        cid = lax.axis_index("c")
        sid = lax.axis_index("s")
        wid = sid * NC + cid
        base = wid * b_per_w
        row0 = jnp.minimum(sid * stage, V - stage)
        icopy = pltpu.async_copy(idx_hbm.at[wid], idx_v, isem)
        pltpu.sync_copy(
            table_hbm.at[pl.ds(row0, stage)], table_sh.at[pl.ds(row0, stage)]
        )
        plsc.subcore_barrier()
        icopy.wait()
        gathers = [
            pltpu.async_copy(
                table_sh.at[idx_v.at[j]],
                rows_v.at[j // 2, pl.ds((j % 2) * chunk, chunk)],
                gsem.at[j],
            )
            for j in range(n_chunks)
        ]
        writes = []
        for i in range(n_chunks // 2):
            gathers[2 * i].wait()
            gathers[2 * i + 1].wait()
            writes.append(
                pltpu.async_copy(
                    rows_v.at[i],
                    out_hbm.at[pl.ds(base + i * 2 * chunk, 2 * chunk)],
                    wsem,
                )
            )
        for w in writes:
            w.wait()

    def run(x, table):
        idx = x.astype(jnp.int32).reshape(NW, n_chunks, chunk)
        out = k(idx, table)
        return out.reshape(B, 1, D)

    return run


def kernel(x, table):
    B = x.shape[0]
    V, D = table.shape
    return _build(B, V, D)(x, table)

# --- scband reference (transcript-rebuilt; emitter-appended) ---
"""Pipeline reference for scband-action-embedding-70480413327523 (READ-ONLY COPY).

The authoritative reference and input builder live on the scoring server;
editing this copy changes nothing except your own understanding.
"""

import jax, jax.numpy as jnp
import numpy as np

ACTION_SPACE = 1000
LAYER_SIZE = 128
BATCH = 16384

def setup_inputs(seed: int = 0) -> dict:
    key = jax.random.key(seed)
    k1, k2 = jax.random.split(key)
    x = jax.random.randint(k1, (BATCH,), 0, ACTION_SPACE, dtype=jnp.int64 if jax.config.jax_enable_x64 else jnp.int32)
    table = jax.random.normal(k2, (ACTION_SPACE, LAYER_SIZE), dtype=jnp.float32)
    return {"x": x, "table": table}

def reference(x, table):
    # x.view(-1, 1) then nn.Embedding lookup -> [B, 1, layer_size]
    idx = x.reshape(-1, 1)
    out = jnp.take(table, idx, axis=0)
    return out

if __name__ == "__main__":
    import jax
    _d = setup_inputs()
    print(jax.jit(kernel)(*tuple(_d.values())))

</pallas_src>

<mosaic_0001>
#map = affine_map<(d0, d1) -> (0, 0, 0)>
#map1 = affine_map<(d0, d1) -> (0, 0)>
module attributes {stable_mosaic.version = 14 : i64} {
  func.func @k(%arg0: i32, %arg1: i32, %arg2: memref<32x8x64xi32, #tpu.memory_space<hbm>>, %arg3: memref<1000x128xf32, #tpu.memory_space<hbm>>, %arg4: memref<16384x128xf32, #tpu.memory_space<hbm>>, %arg5: memref<8x64xi32, #tpu.memory_space<vmem>>, %arg6: memref<4x128x128xf32, #tpu.memory_space<vmem>>, %arg7: memref<1000x128xf32, #tpu.memory_space<vmem_shared>>, %arg8: memref<!tpu.dma_semaphore, #tpu.memory_space<semaphore_mem>>, %arg9: memref<8x!tpu.dma_semaphore, #tpu.memory_space<semaphore_mem>>, %arg10: memref<!tpu.dma_semaphore, #tpu.memory_space<semaphore_mem>>) attributes {dimension_semantics = [#tpu.dimension_semantics<core_parallel>, #tpu.dimension_semantics<subcore_parallel>], iteration_bounds = array<i64: 2, 16>, scalar_prefetch = 0 : i64, scratch_operands = 6 : i64, tpu.core_type = #tpu.core_type<sc_vector_subcore>, window_params = [{transform_indices = #map}, {transform_indices = #map1}, {transform_indices = #map1}]} {
    %mul3A = arith.constant 2 : i32
    %mul3A_0 = arith.muli %arg1, %mul3A : i32
    %add3A = arith.addi %mul3A_0, %arg0 : i32
    %mul3A_1 = arith.constant 512 : i32
    %mul3A_2 = arith.muli %add3A, %mul3A_1 : i32
    %mul3A_3 = arith.constant 64 : i32
    %mul3A_4 = arith.muli %arg1, %mul3A_3 : i32
    %min3A = arith.constant 936 : i32
    %min3A_5 = arith.minsi %mul3A_4, %min3A : i32
    %dma_start3A = arith.constant 0 : i32
    %dma_start3A_6 = arith.constant 0 : i32
    %dma_start3A_7 = tpu.memref_slice %arg2[%add3A, %dma_start3A, %dma_start3A_6] : memref<32x8x64xi32, #tpu.memory_space<hbm>> -> memref<1x8x64xi32, #tpu.memory_space<hbm>>
    %dma_start3A_8 = tpu.memref_squeeze %dma_start3A_7 : memref<1x8x64xi32, #tpu.memory_space<hbm>> -> memref<8x64xi32, #tpu.memory_space<hbm>>
    %dma_start3A_9 = arith.constant 0 : i32
    %dma_start3A_10 = arith.constant 0 : i32
    %dma_start3A_11 = tpu.memref_slice %arg2[%add3A, %dma_start3A_9, %dma_start3A_10] : memref<32x8x64xi32, #tpu.memory_space<hbm>> -> memref<1x8x64xi32, #tpu.memory_space<hbm>>
    %dma_start3A_12 = tpu.memref_squeeze %dma_start3A_11 : memref<1x8x64xi32, #tpu.memory_space<hbm>> -> memref<8x64xi32, #tpu.memory_space<hbm>>
    tpu.enqueue_dma source(%dma_start3A_12 : memref<8x64xi32, #tpu.memory_space<hbm>>) target(%arg5 : memref<8x64xi32, #tpu.memory_space<vmem>>) target_semaphore(%arg8 : memref<!tpu.dma_semaphore, #tpu.memory_space<semaphore_mem>>)
    "tpu.region"() ({
      %run_scoped3A = tpu.sem_alloc : memref<!tpu.dma_semaphore, #tpu.memory_space<semaphore_mem>>
      %dma_start3A_372 = arith.constant 0 : i32
      %dma_start3A_373 = tpu.memref_slice %arg7[%min3A_5, %dma_start3A_372] : memref<1000x128xf32, #tpu.memory_space<vmem_shared>> -> memref<64x128xf32, #tpu.memory_space<vmem_shared>>
      %dma_start3A_374 = arith.constant 0 : i32
      %dma_start3A_375 = tpu.memref_slice %arg3[%min3A_5, %dma_start3A_374] : memref<1000x128xf32, #tpu.memory_space<hbm>> -> memref<64x128xf32, #tpu.memory_space<hbm>>
      tpu.enqueue_dma source(%dma_start3A_375 : memref<64x128xf32, #tpu.memory_space<hbm>>) target(%dma_start3A_373 : memref<64x128xf32, #tpu.memory_space<vmem_shared>>) target_semaphore(%run_scoped3A : memref<!tpu.dma_semaphore, #tpu.memory_space<semaphore_mem>>)
      %dma_wait3A_376 = arith.constant 0 : i32
      %dma_wait3A_377 = tpu.memref_slice %arg7[%min3A_5, %dma_wait3A_376] : memref<1000x128xf32, #tpu.memory_space<vmem_shared>> -> memref<64x128xf32, #tpu.memory_space<vmem_shared>>
      %dma_wait3A_378 = arith.constant 0 : i32
      %dma_wait3A_379 = tpu.memref_slice %arg3[%min3A_5, %dma_wait3A_378] : memref<1000x128xf32, #tpu.memory_space<hbm>> -> memref<64x128xf32, #tpu.memory_space<hbm>>
      tpu.wait_dma2 semaphore(%run_scoped3A : memref<!tpu.dma_semaphore, #tpu.memory_space<semaphore_mem>>) src(%dma_wait3A_379 : memref<64x128xf32, #tpu.memory_space<hbm>>) dst(%dma_wait3A_377 : memref<64x128xf32, #tpu.memory_space<vmem_shared>>)
      tpu.yield
    }) : () -> ()
    %barrier3A = arith.constant 0 : index
    tpu.barrier barrier_id(%barrier3A)
    %dma_wait3A = arith.constant 0 : i32
    %dma_wait3A_13 = arith.constant 0 : i32
    %dma_wait3A_14 = tpu.memref_slice %arg2[%add3A, %dma_wait3A, %dma_wait3A_13] : memref<32x8x64xi32, #tpu.memory_space<hbm>> -> memref<1x8x64xi32, #tpu.memory_space<hbm>>
    %dma_wait3A_15 = tpu.memref_squeeze %dma_wait3A_14 : memref<1x8x64xi32, #tpu.memory_space<hbm>> -> memref<8x64xi32, #tpu.memory_space<hbm>>
    %dma_wait3A_16 = arith.constant 0 : i32
    %dma_wait3A_17 = arith.constant 0 : i32
    %dma_wait3A_18 = tpu.memref_slice %arg2[%add3A, %dma_wait3A_16, %dma_wait3A_17] : memref<32x8x64xi32, #tpu.memory_space<hbm>> -> memref<1x8x64xi32, #tpu.memory_space<hbm>>
    %dma_wait3A_19 = tpu.memref_squeeze %dma_wait3A_18 : memref<1x8x64xi32, #tpu.memory_space<hbm>> -> memref<8x64xi32, #tpu.memory_space<hbm>>
    tpu.wait_dma2 semaphore(%arg8 : memref<!tpu.dma_semaphore, #tpu.memory_space<semaphore_mem>>) src(%dma_wait3A_19 : memref<8x64xi32, #tpu.memory_space<hbm>>) dst(%arg5 : memref<8x64xi32, #tpu.memory_space<vmem>>)
    %dma_start3A_20 = arith.constant 0 : i32
    %dma_start3A_21 = arith.constant 0 : i32
    %dma_start3A_22 = arith.constant 0 : i32
    %dma_start3A_23 = arith.constant 0 : i32
    %dma_start3A_24 = arith.constant 0 : i32
    %dma_start3A_25 = tpu.memref_slice %arg6[%dma_start3A_21, %dma_start3A_23, %dma_start3A_24] : memref<4x128x128xf32, #tpu.memory_space<vmem>> -> memref<1x64x128xf32, #tpu.memory_space<vmem>>
    %dma_start3A_26 = tpu.memref_squeeze %dma_start3A_25 : memref<1x64x128xf32, #tpu.memory_space<vmem>> -> memref<64x128xf32, #tpu.memory_space<vmem>>
    %dma_start3A_27 = arith.constant 0 : i32
    %dma_start3A_28 = tpu.memref_slice %arg5[%dma_start3A_20, %dma_start3A_27] : memref<8x64xi32, #tpu.memory_space<vmem>> -> memref<1x64xi32, #tpu.memory_space<vmem>>
    %dma_start3A_29 = tpu.memref_squeeze %dma_start3A_28 : memref<1x64xi32, #tpu.memory_space<vmem>> -> memref<64xi32, #tpu.memory_space<vmem>>
    %dma_start3A_30 = arith.constant 0 : i32
    %dma_start3A_31 = arith.constant 0 : i32
    %dma_start3A_32 = tpu.memref_slice %arg7[%dma_start3A_30, %dma_start3A_31] : memref<1000x128xf32, #tpu.memory_space<vmem_shared>> -> memref<1000x128xf32, #tpu.memory_space<vmem_shared>>
    %dma_start3A_33 = tpu.memref_slice %arg9[%dma_start3A_22] : memref<8x!tpu.dma_semaphore, #tpu.memory_space<semaphore_mem>> -> memref<1x!tpu.dma_semaphore, #tpu.memory_space<semaphore_mem>>
    %dma_start3A_34 = tpu.memref_squeeze %dma_start3A_33 : memref<1x!tpu.dma_semaphore, #tpu.memory_space<semaphore_mem>> -> memref<!tpu.dma_semaphore, #tpu.memory_space<semaphore_mem>>
    tpu.enqueue_indirect_dma source(%dma_start3A_32 : memref<1000x128xf32, #tpu.memory_space<vmem_shared>>) target(%dma_start3A_26 : memref<64x128xf32, #tpu.memory_space<vmem>>) offsets(%dma_start3A_29 : memref<64xi32, #tpu.memory_space<vmem>>) semaphore(%dma_start3A_34 : memref<!tpu.dma_semaphore, #tpu.memory_space<semaphore_mem>>)
    %dma_start3A_35 = arith.constant 1 : i32
    %dma_start3A_36 = arith.constant 0 : i32
    %dma_start3A_37 = arith.constant 1 : i32
    %dma_start3A_38 = arith.constant 64 : i32
    %dma_start3A_39 = arith.constant 0 : i32
    %dma_start3A_40 = tpu.memref_slice %arg6[%dma_start3A_36, %dma_start3A_38, %dma_start3A_39] : memref<4x128x128xf32, #tpu.memory_space<vmem>> -> memref<1x64x128xf32, #tpu.memory_space<vmem>>
    %dma_start3A_41 = tpu.memref_squeeze %dma_start3A_40 : memref<1x64x128xf32, #tpu.memory_space<vmem>> -> memref<64x128xf32, #tpu.memory_space<vmem>>
    %dma_start3A_42 = arith.constant 0 : i32
    %dma_start3A_43 = tpu.memref_slice %arg5[%dma_start3A_35, %dma_start3A_42] : memref<8x64xi32, #tpu.memory_space<vmem>> -> memref<1x64xi32, #tpu.memory_space<vmem>>
    %dma_start3A_44 = tpu.memref_squeeze %dma_start3A_43 : memref<1x64xi32, #tpu.memory_space<vmem>> -> memref<64xi32, #tpu.memory_space<vmem>>
    %dma_start3A_45 = arith.constant 0 : i32
    %dma_start3A_46 = arith.constant 0 : i32
    %dma_start3A_47 = tpu.memref_slice %arg7[%dma_start3A_45, %dma_start3A_46] : memref<1000x128xf32, #tpu.memory_space<vmem_shared>> -> memref<1000x128xf32, #tpu.memory_space<vmem_shared>>
    %dma_start3A_48 = tpu.memref_slice %arg9[%dma_start3A_37] : memref<8x!tpu.dma_semaphore, #tpu.memory_space<semaphore_mem>> -> memref<1x!tpu.dma_semaphore, #tpu.memory_space<semaphore_mem>>
    %dma_start3A_49 = tpu.memref_squeeze %dma_start3A_48 : memref<1x!tpu.dma_semaphore, #tpu.memory_space<semaphore_mem>> -> memref<!tpu.dma_semaphore, #tpu.memory_space<semaphore_mem>>
    tpu.enqueue_indirect_dma source(%dma_start3A_47 : memref<1000x128xf32, #tpu.memory_space<vmem_shared>>) target(%dma_start3A_41 : memref<64x128xf32, #tpu.memory_space<vmem>>) offsets(%dma_start3A_44 : memref<64xi32, #tpu.memory_space<vmem>>) semaphore(%dma_start3A_49 : memref<!tpu.dma_semaphore, #tpu.memory_space<semaphore_mem>>)
    %dma_start3A_50 = arith.constant 2 : i32
    %dma_start3A_51 = arith.constant 1 : i32
    %dma_start3A_52 = arith.constant 2 : i32
    %dma_start3A_53 = arith.constant 0 : i32
    %dma_start3A_54 = arith.constant 0 : i32
    %dma_start3A_55 = tpu.memref_slice %arg6[%dma_start3A_51, %dma_start3A_53, %dma_start3A_54] : memref<4x128x128xf32, #tpu.memory_space<vmem>> -> memref<1x64x128xf32, #tpu.memory_space<vmem>>
    %dma_start3A_56 = tpu.memref_squeeze %dma_start3A_55 : memref<1x64x128xf32, #tpu.memory_space<vmem>> -> memref<64x128xf32, #tpu.memory_space<vmem>>
    %dma_start3A_57 = arith.constant 0 : i32
    %dma_start3A_58 = tpu.memref_slice %arg5[%dma_start3A_50, %dma_start3A_57] : memref<8x64xi32, #tpu.memory_space<vmem>> -> memref<1x64xi32, #tpu.memory_space<vmem>>
    %dma_start3A_59 = tpu.memref_squeeze %dma_start3A_58 : memref<1x64xi32, #tpu.memory_space<vmem>> -> memref<64xi32, #tpu.memory_space<vmem>>
    %dma_start3A_60 = arith.constant 0 : i32
    %dma_start3A_61 = arith.constant 0 : i32
    %dma_start3A_62 = tpu.memref_slice %arg7[%dma_start3A_60, %dma_start3A_61] : memref<1000x128xf32, #tpu.memory_space<vmem_shared>> -> memref<1000x128xf32, #tpu.memory_space<vmem_shared>>
    %dma_start3A_63 = tpu.memref_slice %arg9[%dma_start3A_52] : memref<8x!tpu.dma_semaphore, #tpu.memory_space<semaphore_mem>> -> memref<1x!tpu.dma_semaphore, #tpu.memory_space<semaphore_mem>>
    %dma_start3A_64 = tpu.memref_squeeze %dma_start3A_63 : memref<1x!tpu.dma_semaphore, #tpu.memory_space<semaphore_mem>> -> memref<!tpu.dma_semaphore, #tpu.memory_space<semaphore_mem>>
    tpu.enqueue_indirect_dma source(%dma_start3A_62 : memref<1000x128xf32, #tpu.memory_space<vmem_shared>>) target(%dma_start3A_56 : memref<64x128xf32, #tpu.memory_space<vmem>>) offsets(%dma_start3A_59 : memref<64xi32, #tpu.memory_space<vmem>>) semaphore(%dma_start3A_64 : memref<!tpu.dma_semaphore, #tpu.memory_space<semaphore_mem>>)
    %dma_start3A_65 = arith.constant 3 : i32
    %dma_start3A_66 = arith.constant 1 : i32
    %dma_start3A_67 = arith.constant 3 : i32
    %dma_start3A_68 = arith.constant 64 : i32
    %dma_start3A_69 = arith.constant 0 : i32
    %dma_start3A_70 = tpu.memref_slice %arg6[%dma_start3A_66, %dma_start3A_68, %dma_start3A_69] : memref<4x128x128xf32, #tpu.memory_space<vmem>> -> memref<1x64x128xf32, #tpu.memory_space<vmem>>
    %dma_start3A_71 = tpu.memref_squeeze %dma_start3A_70 : memref<1x64x128xf32, #tpu.memory_space<vmem>> -> memref<64x128xf32, #tpu.memory_space<vmem>>
    %dma_start3A_72 = arith.constant 0 : i32
    %dma_start3A_73 = tpu.memref_slice %arg5[%dma_start3A_65, %dma_start3A_72] : memref<8x64xi32, #tpu.memory_space<vmem>> -> memref<1x64xi32, #tpu.memory_space<vmem>>
    %dma_start3A_74 = tpu.memref_squeeze %dma_start3A_73 : memref<1x64xi32, #tpu.memory_space<vmem>> -> memref<64xi32, #tpu.memory_space<vmem>>
    %dma_start3A_75 = arith.constant 0 : i32
    %dma_start3A_76 = arith.constant 0 : i32
    %dma_start3A_77 = tpu.memref_slice %arg7[%dma_start3A_75, %dma_start3A_76] : memref<1000x128xf32, #tpu.memory_space<vmem_shared>> -> memref<1000x128xf32, #tpu.memory_space<vmem_shared>>
    %dma_start3A_78 = tpu.memref_slice %arg9[%dma_start3A_67] : memref<8x!tpu.dma_semaphore, #tpu.memory_space<semaphore_mem>> -> memref<1x!tpu.dma_semaphore, #tpu.memory_space<semaphore_mem>>
    %dma_start3A_79 = tpu.memref_squeeze %dma_start3A_78 : memref<1x!tpu.dma_semaphore, #tpu.memory_space<semaphore_mem>> -> memref<!tpu.dma_semaphore, #tpu.memory_space<semaphore_mem>>
    tpu.enqueue_indirect_dma source(%dma_start3A_77 : memref<1000x128xf32, #tpu.memory_space<vmem_shared>>) target(%dma_start3A_71 : memref<64x128xf32, #tpu.memory_space<vmem>>) offsets(%dma_start3A_74 : memref<64xi32, #tpu.memory_space<vmem>>) semaphore(%dma_start3A_79 : memref<!tpu.dma_semaphore, #tpu.memory_space<semaphore_mem>>)
    %dma_start3A_80 = arith.constant 4 : i32
    %dma_start3A_81 = arith.constant 2 : i32
    %dma_start3A_82 = arith.constant 4 : i32
    %dma_start3A_83 = arith.constant 0 : i32
    %dma_start3A_84 = arith.constant 0 : i32
    %dma_start3A_85 = tpu.memref_slice %arg6[%dma_start3A_81, %dma_start3A_83, %dma_start3A_84] : memref<4x128x128xf32, #tpu.memory_space<vmem>> -> memref<1x64x128xf32, #tpu.memory_space<vmem>>
    %dma_start3A_86 = tpu.memref_squeeze %dma_start3A_85 : memref<1x64x128xf32, #tpu.memory_space<vmem>> -> memref<64x128xf32, #tpu.memory_space<vmem>>
    %dma_start3A_87 = arith.constant 0 : i32
    %dma_start3A_88 = tpu.memref_slice %arg5[%dma_start3A_80, %dma_start3A_87] : memref<8x64xi32, #tpu.memory_space<vmem>> -> memref<1x64xi32, #tpu.memory_space<vmem>>
    %dma_start3A_89 = tpu.memref_squeeze %dma_start3A_88 : memref<1x64xi32, #tpu.memory_space<vmem>> -> memref<64xi32, #tpu.memory_space<vmem>>
    %dma_start3A_90 = arith.constant 0 : i32
    %dma_start3A_91 = arith.constant 0 : i32
    %dma_start3A_92 = tpu.memref_slice %arg7[%dma_start3A_90, %dma_start3A_91] : memref<1000x128xf32, #tpu.memory_space<vmem_shared>> -> memref<1000x128xf32, #tpu.memory_space<vmem_shared>>
    %dma_start3A_93 = tpu.memref_slice %arg9[%dma_start3A_82] : memref<8x!tpu.dma_semaphore, #tpu.memory_space<semaphore_mem>> -> memref<1x!tpu.dma_semaphore, #tpu.memory_space<semaphore_mem>>
    %dma_start3A_94 = tpu.memref_squeeze %dma_start3A_93 : memref<1x!tpu.dma_semaphore, #tpu.memory_space<semaphore_mem>> -> memref<!tpu.dma_semaphore, #tpu.memory_space<semaphore_mem>>
    tpu.enqueue_indirect_dma source(%dma_start3A_92 : memref<1000x128xf32, #tpu.memory_space<vmem_shared>>) target(%dma_start3A_86 : memref<64x128xf32, #tpu.memory_space<vmem>>) offsets(%dma_start3A_89 : memref<64xi32, #tpu.memory_space<vmem>>) semaphore(%dma_start3A_94 : memref<!tpu.dma_semaphore, #tpu.memory_space<semaphore_mem>>)
    %dma_start3A_95 = arith.constant 5 : i32
    %dma_start3A_96 = arith.constant 2 : i32
    %dma_start3A_97 = arith.constant 5 : i32
    %dma_start3A_98 = arith.constant 64 : i32
    %dma_start3A_99 = arith.constant 0 : i32
    %dma_start3A_100 = tpu.memref_slice %arg6[%dma_start3A_96, %dma_start3A_98, %dma_start3A_99] : memref<4x128x128xf32, #tpu.memory_space<vmem>> -> memref<1x64x128xf32, #tpu.memory_space<vmem>>
    %dma_start3A_101 = tpu.memref_squeeze %dma_start3A_100 : memref<1x64x128xf32, #tpu.memory_space<vmem>> -> memref<64x128xf32, #tpu.memory_space<vmem>>
    %dma_start3A_102 = arith.constant 0 : i32
    %dma_start3A_103 = tpu.memref_slice %arg5[%dma_start3A_95, %dma_start3A_102] : memref<8x64xi32, #tpu.memory_space<vmem>> -> memref<1x64xi32, #tpu.memory_space<vmem>>
    %dma_start3A_104 = tpu.memref_squeeze %dma_start3A_103 : memref<1x64xi32, #tpu.memory_space<vmem>> -> memref<64xi32, #tpu.memory_space<vmem>>
    %dma_start3A_105 = arith.constant 0 : i32
    %dma_start3A_106 = arith.constant 0 : i32
    %dma_start3A_107 = tpu.memref_slice %arg7[%dma_start3A_105, %dma_start3A_106] : memref<1000x128xf32, #tpu.memory_space<vmem_shared>> -> memref<1000x128xf32, #tpu.memory_space<vmem_shared>>
    %dma_start3A_108 = tpu.memref_slice %arg9[%dma_start3A_97] : memref<8x!tpu.dma_semaphore, #tpu.memory_space<semaphore_mem>> -> memref<1x!tpu.dma_semaphore, #tpu.memory_space<semaphore_mem>>
    %dma_start3A_109 = tpu.memref_squeeze %dma_start3A_108 : memref<1x!tpu.dma_semaphore, #tpu.memory_space<semaphore_mem>> -> memref<!tpu.dma_semaphore, #tpu.memory_space<semaphore_mem>>
    tpu.enqueue_indirect_dma source(%dma_start3A_107 : memref<1000x128xf32, #tpu.memory_space<vmem_shared>>) target(%dma_start3A_101 : memref<64x128xf32, #tpu.memory_space<vmem>>) offsets(%dma_start3A_104 : memref<64xi32, #tpu.memory_space<vmem>>) semaphore(%dma_start3A_109 : memref<!tpu.dma_semaphore, #tpu.memory_space<semaphore_mem>>)
    %dma_start3A_110 = arith.constant 6 : i32
    %dma_start3A_111 = arith.constant 3 : i32
    %dma_start3A_112 = arith.constant 6 : i32
    %dma_start3A_113 = arith.constant 0 : i32
    %dma_start3A_114 = arith.constant 0 : i32
    %dma_start3A_115 = tpu.memref_slice %arg6[%dma_start3A_111, %dma_start3A_113, %dma_start3A_114] : memref<4x128x128xf32, #tpu.memory_space<vmem>> -> memref<1x64x128xf32, #tpu.memory_space<vmem>>
    %dma_start3A_116 = tpu.memref_squeeze %dma_start3A_115 : memref<1x64x128xf32, #tpu.memory_space<vmem>> -> memref<64x128xf32, #tpu.memory_space<vmem>>
    %dma_start3A_117 = arith.constant 0 : i32
    %dma_start3A_118 = tpu.memref_slice %arg5[%dma_start3A_110, %dma_start3A_117] : memref<8x64xi32, #tpu.memory_space<vmem>> -> memref<1x64xi32, #tpu.memory_space<vmem>>
    %dma_start3A_119 = tpu.memref_squeeze %dma_start3A_118 : memref<1x64xi32, #tpu.memory_space<vmem>> -> memref<64xi32, #tpu.memory_space<vmem>>
    %dma_start3A_120 = arith.constant 0 : i32
    %dma_start3A_121 = arith.constant 0 : i32
    %dma_start3A_122 = tpu.memref_slice %arg7[%dma_start3A_120, %dma_start3A_121] : memref<1000x128xf32, #tpu.memory_space<vmem_shared>> -> memref<1000x128xf32, #tpu.memory_space<vmem_shared>>
    %dma_start3A_123 = tpu.memref_slice %arg9[%dma_start3A_112] : memref<8x!tpu.dma_semaphore, #tpu.memory_space<semaphore_mem>> -> memref<1x!tpu.dma_semaphore, #tpu.memory_space<semaphore_mem>>
    %dma_start3A_124 = tpu.memref_squeeze %dma_start3A_123 : memref<1x!tpu.dma_semaphore, #tpu.memory_space<semaphore_mem>> -> memref<!tpu.dma_semaphore, #tpu.memory_space<semaphore_mem>>
    tpu.enqueue_indirect_dma source(%dma_start3A_122 : memref<1000x128xf32, #tpu.memory_space<vmem_shared>>) target(%dma_start3A_116 : memref<64x128xf32, #tpu.memory_space<vmem>>) offsets(%dma_start3A_119 : memref<64xi32, #tpu.memory_space<vmem>>) semaphore(%dma_start3A_124 : memref<!tpu.dma_semaphore, #tpu.memory_space<semaphore_mem>>)
    %dma_start3A_125 = arith.constant 7 : i32
    %dma_start3A_126 = arith.constant 3 : i32
    %dma_start3A_127 = arith.constant 7 : i32
    %dma_start3A_128 = arith.constant 64 : i32
    %dma_start3A_129 = arith.constant 0 : i32
    %dma_start3A_130 = tpu.memref_slice %arg6[%dma_start3A_126, %dma_start3A_128, %dma_start3A_129] : memref<4x128x128xf32, #tpu.memory_space<vmem>> -> memref<1x64x128xf32, #tpu.memory_space<vmem>>
    %dma_start3A_131 = tpu.memref_squeeze %dma_start3A_130 : memref<1x64x128xf32, #tpu.memory_space<vmem>> -> memref<64x128xf32, #tpu.memory_space<vmem>>
    %dma_start3A_132 = arith.constant 0 : i32
    %dma_start3A_133 = tpu.memref_slice %arg5[%dma_start3A_125, %dma_start3A_132] : memref<8x64xi32, #tpu.memory_space<vmem>> -> memref<1x64xi32, #tpu.memory_space<vmem>>
    %dma_start3A_134 = tpu.memref_squeeze %dma_start3A_133 : memref<1x64xi32, #tpu.memory_space<vmem>> -> memref<64xi32, #tpu.memory_space<vmem>>
    %dma_start3A_135 = arith.constant 0 : i32
    %dma_start3A_136 = arith.constant 0 : i32
    %dma_start3A_137 = tpu.memref_slice %arg7[%dma_start3A_135, %dma_start3A_136] : memref<1000x128xf32, #tpu.memory_space<vmem_shared>> -> memref<1000x128xf32, #tpu.memory_space<vmem_shared>>
    %dma_start3A_138 = tpu.memref_slice %arg9[%dma_start3A_127] : memref<8x!tpu.dma_semaphore, #tpu.memory_space<semaphore_mem>> -> memref<1x!tpu.dma_semaphore, #tpu.memory_space<semaphore_mem>>
    %dma_start3A_139 = tpu.memref_squeeze %dma_start3A_138 : memref<1x!tpu.dma_semaphore, #tpu.memory_space<semaphore_mem>> -> memref<!tpu.dma_semaphore, #tpu.memory_space<semaphore_mem>>
    tpu.enqueue_indirect_dma source(%dma_start3A_137 : memref<1000x128xf32, #tpu.memory_space<vmem_shared>>) target(%dma_start3A_131 : memref<64x128xf32, #tpu.memory_space<vmem>>) offsets(%dma_start3A_134 : memref<64xi32, #tpu.memory_space<vmem>>) semaphore(%dma_start3A_139 : memref<!tpu.dma_semaphore, #tpu.memory_space<semaphore_mem>>)
    %dma_wait3A_140 = arith.constant 0 : i32
    %dma_wait3A_141 = arith.constant 0 : i32
    %dma_wait3A_142 = arith.constant 0 : i32
    %dma_wait3A_143 = arith.constant 0 : i32
    %dma_wait3A_144 = arith.constant 0 : i32
    %dma_wait3A_145 = tpu.memref_slice %arg6[%dma_wait3A_141, %dma_wait3A_143, %dma_wait3A_144] : memref<4x128x128xf32, #tpu.memory_space<vmem>> -> memref<1x64x128xf32, #tpu.memory_space<vmem>>
    %dma_wait3A_146 = tpu.memref_squeeze %dma_wait3A_145 : memref<1x64x128xf32, #tpu.memory_space<vmem>> -> memref<64x128xf32, #tpu.memory_space<vmem>>
    %dma_wait3A_147 = arith.constant 0 : i32
    %dma_wait3A_148 = tpu.memref_slice %arg5[%dma_wait3A_140, %dma_wait3A_147] : memref<8x64xi32, #tpu.memory_space<vmem>> -> memref<1x64xi32, #tpu.memory_space<vmem>>
    %dma_wait3A_149 = tpu.memref_squeeze %dma_wait3A_148 : memref<1x64xi32, #tpu.memory_space<vmem>> -> memref<64xi32, #tpu.memory_space<vmem>>
    %dma_wait3A_150 = arith.constant 0 : i32
    %dma_wait3A_151 = arith.constant 0 : i32
    %dma_wait3A_152 = tpu.memref_slice %arg7[%dma_wait3A_150, %dma_wait3A_151] : memref<1000x128xf32, #tpu.memory_space<vmem_shared>> -> memref<1000x128xf32, #tpu.memory_space<vmem_shared>>
    %dma_wait3A_153 = tpu.memref_slice %arg9[%dma_wait3A_142] : memref<8x!tpu.dma_semaphore, #tpu.memory_space<semaphore_mem>> -> memref<1x!tpu.dma_semaphore, #tpu.memory_space<semaphore_mem>>
    %dma_wait3A_154 = tpu.memref_squeeze %dma_wait3A_153 : memref<1x!tpu.dma_semaphore, #tpu.memory_space<semaphore_mem>> -> memref<!tpu.dma_semaphore, #tpu.memory_space<semaphore_mem>>
    tpu.wait_indirect_dma semaphore(%dma_wait3A_154 : memref<!tpu.dma_semaphore, #tpu.memory_space<semaphore_mem>>) src(%dma_wait3A_152 : memref<1000x128xf32, #tpu.memory_space<vmem_shared>>) dst(%dma_wait3A_146 : memref<64x128xf32, #tpu.memory_space<vmem>>)
    %dma_wait3A_155 = arith.constant 1 : i32
    %dma_wait3A_156 = arith.constant 0 : i32
    %dma_wait3A_157 = arith.constant 1 : i32
    %dma_wait3A_158 = arith.constant 64 : i32
    %dma_wait3A_159 = arith.constant 0 : i32
    %dma_wait3A_160 = tpu.memref_slice %arg6[%dma_wait3A_156, %dma_wait3A_158, %dma_wait3A_159] : memref<4x128x128xf32, #tpu.memory_space<vmem>> -> memref<1x64x128xf32, #tpu.memory_space<vmem>>
    %dma_wait3A_161 = tpu.memref_squeeze %dma_wait3A_160 : memref<1x64x128xf32, #tpu.memory_space<vmem>> -> memref<64x128xf32, #tpu.memory_space<vmem>>
    %dma_wait3A_162 = arith.constant 0 : i32
    %dma_wait3A_163 = tpu.memref_slice %arg5[%dma_wait3A_155, %dma_wait3A_162] : memref<8x64xi32, #tpu.memory_space<vmem>> -> memref<1x64xi32, #tpu.memory_space<vmem>>
    %dma_wait3A_164 = tpu.memref_squeeze %dma_wait3A_163 : memref<1x64xi32, #tpu.memory_space<vmem>> -> memref<64xi32, #tpu.memory_space<vmem>>
    %dma_wait3A_165 = arith.constant 0 : i32
    %dma_wait3A_166 = arith.constant 0 : i32
    %dma_wait3A_167 = tpu.memref_slice %arg7[%dma_wait3A_165, %dma_wait3A_166] : memref<1000x128xf32, #tpu.memory_space<vmem_shared>> -> memref<1000x128xf32, #tpu.memory_space<vmem_shared>>
    %dma_wait3A_168 = tpu.memref_slice %arg9[%dma_wait3A_157] : memref<8x!tpu.dma_semaphore, #tpu.memory_space<semaphore_mem>> -> memref<1x!tpu.dma_semaphore, #tpu.memory_space<semaphore_mem>>
    %dma_wait3A_169 = tpu.memref_squeeze %dma_wait3A_168 : memref<1x!tpu.dma_semaphore, #tpu.memory_space<semaphore_mem>> -> memref<!tpu.dma_semaphore, #tpu.memory_space<semaphore_mem>>
    tpu.wait_indirect_dma semaphore(%dma_wait3A_169 : memref<!tpu.dma_semaphore, #tpu.memory_space<semaphore_mem>>) src(%dma_wait3A_167 : memref<1000x128xf32, #tpu.memory_space<vmem_shared>>) dst(%dma_wait3A_161 : memref<64x128xf32, #tpu.memory_space<vmem>>)
    %add3A_170 = arith.constant 0 : i32
    %add3A_171 = arith.addi %mul3A_2, %add3A_170 : i32
    %dma_start3A_172 = arith.constant 0 : i32
    %dma_start3A_173 = arith.constant 0 : i32
    %dma_start3A_174 = arith.constant 0 : i32
    %dma_start3A_175 = tpu.memref_slice %arg6[%dma_start3A_172, %dma_start3A_173, %dma_start3A_174] : memref<4x128x128xf32, #tpu.memory_space<vmem>> -> memref<1x128x128xf32, #tpu.memory_space<vmem>>
    %dma_start3A_176 = tpu.memref_squeeze %dma_start3A_175 : memref<1x128x128xf32, #tpu.memory_space<vmem>> -> memref<128x128xf32, #tpu.memory_space<vmem>>
    %dma_start3A_177 = arith.constant 0 : i32
    %dma_start3A_178 = tpu.memref_slice %arg4[%add3A_171, %dma_start3A_177] : memref<16384x128xf32, #tpu.memory_space<hbm>> -> memref<128x128xf32, #tpu.memory_space<hbm>>
    %dma_start3A_179 = arith.constant 0 : i32
    %dma_start3A_180 = tpu.memref_slice %arg4[%add3A_171, %dma_start3A_179] : memref<16384x128xf32, #tpu.memory_space<hbm>> -> memref<128x128xf32, #tpu.memory_space<hbm>>
    %dma_start3A_181 = arith.constant 0 : i32
    %dma_start3A_182 = arith.constant 0 : i32
    %dma_start3A_183 = tpu.memref_slice %arg6[%dma_start3A_172, %dma_start3A_181, %dma_start3A_182] : memref<4x128x128xf32, #tpu.memory_space<vmem>> -> memref<1x128x128xf32, #tpu.memory_space<vmem>>
    %dma_start3A_184 = tpu.memref_squeeze %dma_start3A_183 : memref<1x128x128xf32, #tpu.memory_space<vmem>> -> memref<128x128xf32, #tpu.memory_space<vmem>>
    tpu.enqueue_dma source(%dma_start3A_184 : memref<128x128xf32, #tpu.memory_space<vmem>>) target(%dma_start3A_180 : memref<128x128xf32, #tpu.memory_space<hbm>>) target_semaphore(%arg10 : memref<!tpu.dma_semaphore, #tpu.memory_space<semaphore_mem>>)
    %dma_wait3A_185 = arith.constant 2 : i32
    %dma_wait3A_186 = arith.constant 1 : i32
    %dma_wait3A_187 = arith.constant 2 : i32
    %dma_wait3A_188 = arith.constant 0 : i32
    %dma_wait3A_189 = arith.constant 0 : i32
    %dma_wait3A_190 = tpu.memref_slice %arg6[%dma_wait3A_186, %dma_wait3A_188, %dma_wait3A_189] : memref<4x128x128xf32, #tpu.memory_space<vmem>> -> memref<1x64x128xf32, #tpu.memory_space<vmem>>
    %dma_wait3A_191 = tpu.memref_squeeze %dma_wait3A_190 : memref<1x64x128xf32, #tpu.memory_space<vmem>> -> memref<64x128xf32, #tpu.memory_space<vmem>>
    %dma_wait3A_192 = arith.constant 0 : i32
    %dma_wait3A_193 = tpu.memref_slice %arg5[%dma_wait3A_185, %dma_wait3A_192] : memref<8x64xi32, #tpu.memory_space<vmem>> -> memref<1x64xi32, #tpu.memory_space<vmem>>
    %dma_wait3A_194 = tpu.memref_squeeze %dma_wait3A_193 : memref<1x64xi32, #tpu.memory_space<vmem>> -> memref<64xi32, #tpu.memory_space<vmem>>
    %dma_wait3A_195 = arith.constant 0 : i32
    %dma_wait3A_196 = arith.constant 0 : i32
    %dma_wait3A_197 = tpu.memref_slice %arg7[%dma_wait3A_195, %dma_wait3A_196] : memref<1000x128xf32, #tpu.memory_space<vmem_shared>> -> memref<1000x128xf32, #tpu.memory_space<vmem_shared>>
    %dma_wait3A_198 = tpu.memref_slice %arg9[%dma_wait3A_187] : memref<8x!tpu.dma_semaphore, #tpu.memory_space<semaphore_mem>> -> memref<1x!tpu.dma_semaphore, #tpu.memory_space<semaphore_mem>>
    %dma_wait3A_199 = tpu.memref_squeeze %dma_wait3A_198 : memref<1x!tpu.dma_semaphore, #tpu.memory_space<semaphore_mem>> -> memref<!tpu.dma_semaphore, #tpu.memory_space<semaphore_mem>>
    tpu.wait_indirect_dma semaphore(%dma_wait3A_199 : memref<!tpu.dma_semaphore, #tpu.memory_space<semaphore_mem>>) src(%dma_wait3A_197 : memref<1000x128xf32, #tpu.memory_space<vmem_shared>>) dst(%dma_wait3A_191 : memref<64x128xf32, #tpu.memory_space<vmem>>)
    %dma_wait3A_200 = arith.constant 3 : i32
    %dma_wait3A_201 = arith.constant 1 : i32
    %dma_wait3A_202 = arith.constant 3 : i32
    %dma_wait3A_203 = arith.constant 64 : i32
    %dma_wait3A_204 = arith.constant 0 : i32
    %dma_wait3A_205 = tpu.memref_slice %arg6[%dma_wait3A_201, %dma_wait3A_203, %dma_wait3A_204] : memref<4x128x128xf32, #tpu.memory_space<vmem>> -> memref<1x64x128xf32, #tpu.memory_space<vmem>>
    %dma_wait3A_206 = tpu.memref_squeeze %dma_wait3A_205 : memref<1x64x128xf32, #tpu.memory_space<vmem>> -> memref<64x128xf32, #tpu.memory_space<vmem>>
    %dma_wait3A_207 = arith.constant 0 : i32
    %dma_wait3A_208 = tpu.memref_slice %arg5[%dma_wait3A_200, %dma_wait3A_207] : memref<8x64xi32, #tpu.memory_space<vmem>> -> memref<1x64xi32, #tpu.memory_space<vmem>>
    %dma_wait3A_209 = tpu.memref_squeeze %dma_wait3A_208 : memref<1x64xi32, #tpu.memory_space<vmem>> -> memref<64xi32, #tpu.memory_space<vmem>>
    %dma_wait3A_210 = arith.constant 0 : i32
    %dma_wait3A_211 = arith.constant 0 : i32
    %dma_wait3A_212 = tpu.memref_slice %arg7[%dma_wait3A_210, %dma_wait3A_211] : memref<1000x128xf32, #tpu.memory_space<vmem_shared>> -> memref<1000x128xf32, #tpu.memory_space<vmem_shared>>
    %dma_wait3A_213 = tpu.memref_slice %arg9[%dma_wait3A_202] : memref<8x!tpu.dma_semaphore, #tpu.memory_space<semaphore_mem>> -> memref<1x!tpu.dma_semaphore, #tpu.memory_space<semaphore_mem>>
    %dma_wait3A_214 = tpu.memref_squeeze %dma_wait3A_213 : memref<1x!tpu.dma_semaphore, #tpu.memory_space<semaphore_mem>> -> memref<!tpu.dma_semaphore, #tpu.memory_space<semaphore_mem>>
    tpu.wait_indirect_dma semaphore(%dma_wait3A_214 : memref<!tpu.dma_semaphore, #tpu.memory_space<semaphore_mem>>) src(%dma_wait3A_212 : memref<1000x128xf32, #tpu.memory_space<vmem_shared>>) dst(%dma_wait3A_206 : memref<64x128xf32, #tpu.memory_space<vmem>>)
    %add3A_215 = arith.constant 128 : i32
    %add3A_216 = arith.addi %mul3A_2, %add3A_215 : i32
    %dma_start3A_217 = arith.constant 1 : i32
    %dma_start3A_218 = arith.constant 0 : i32
    %dma_start3A_219 = arith.constant 0 : i32
    %dma_start3A_220 = tpu.memref_slice %arg6[%dma_start3A_217, %dma_start3A_218, %dma_start3A_219] : memref<4x128x128xf32, #tpu.memory_space<vmem>> -> memref<1x128x128xf32, #tpu.memory_space<vmem>>
    %dma_start3A_221 = tpu.memref_squeeze %dma_start3A_220 : memref<1x128x128xf32, #tpu.memory_space<vmem>> -> memref<128x128xf32, #tpu.memory_space<vmem>>
    %dma_start3A_222 = arith.constant 0 : i32
    %dma_start3A_223 = tpu.memref_slice %arg4[%add3A_216, %dma_start3A_222] : memref<16384x128xf32, #tpu.memory_space<hbm>> -> memref<128x128xf32, #tpu.memory_space<hbm>>
    %dma_start3A_224 = arith.constant 0 : i32
    %dma_start3A_225 = tpu.memref_slice %arg4[%add3A_216, %dma_start3A_224] : memref<16384x128xf32, #tpu.memory_space<hbm>> -> memref<128x128xf32, #tpu.memory_space<hbm>>
    %dma_start3A_226 = arith.constant 0 : i32
    %dma_start3A_227 = arith.constant 0 : i32
    %dma_start3A_228 = tpu.memref_slice %arg6[%dma_start3A_217, %dma_start3A_226, %dma_start3A_227] : memref<4x128x128xf32, #tpu.memory_space<vmem>> -> memref<1x128x128xf32, #tpu.memory_space<vmem>>
    %dma_start3A_229 = tpu.memref_squeeze %dma_start3A_228 : memref<1x128x128xf32, #tpu.memory_space<vmem>> -> memref<128x128xf32, #tpu.memory_space<vmem>>
    tpu.enqueue_dma source(%dma_start3A_229 : memref<128x128xf32, #tpu.memory_space<vmem>>) target(%dma_start3A_225 : memref<128x128xf32, #tpu.memory_space<hbm>>) target_semaphore(%arg10 : memref<!tpu.dma_semaphore, #tpu.memory_space<semaphore_mem>>)
    %dma_wait3A_230 = arith.constant 4 : i32
    %dma_wait3A_231 = arith.constant 2 : i32
    %dma_wait3A_232 = arith.constant 4 : i32
    %dma_wait3A_233 = arith.constant 0 : i32
    %dma_wait3A_234 = arith.constant 0 : i32
    %dma_wait3A_235 = tpu.memref_slice %arg6[%dma_wait3A_231, %dma_wait3A_233, %dma_wait3A_234] : memref<4x128x128xf32, #tpu.memory_space<vmem>> -> memref<1x64x128xf32, #tpu.memory_space<vmem>>
    %dma_wait3A_236 = tpu.memref_squeeze %dma_wait3A_235 : memref<1x64x128xf32, #tpu.memory_space<vmem>> -> memref<64x128xf32, #tpu.memory_space<vmem>>
    %dma_wait3A_237 = arith.constant 0 : i32
    %dma_wait3A_238 = tpu.memref_slice %arg5[%dma_wait3A_230, %dma_wait3A_237] : memref<8x64xi32, #tpu.memory_space<vmem>> -> memref<1x64xi32, #tpu.memory_space<vmem>>
    %dma_wait3A_239 = tpu.memref_squeeze %dma_wait3A_238 : memref<1x64xi32, #tpu.memory_space<vmem>> -> memref<64xi32, #tpu.memory_space<vmem>>
    %dma_wait3A_240 = arith.constant 0 : i32
    %dma_wait3A_241 = arith.constant 0 : i32
    %dma_wait3A_242 = tpu.memref_slice %arg7[%dma_wait3A_240, %dma_wait3A_241] : memref<1000x128xf32, #tpu.memory_space<vmem_shared>> -> memref<1000x128xf32, #tpu.memory_space<vmem_shared>>
    %dma_wait3A_243 = tpu.memref_slice %arg9[%dma_wait3A_232] : memref<8x!tpu.dma_semaphore, #tpu.memory_space<semaphore_mem>> -> memref<1x!tpu.dma_semaphore, #tpu.memory_space<semaphore_mem>>
    %dma_wait3A_244 = tpu.memref_squeeze %dma_wait3A_243 : memref<1x!tpu.dma_semaphore, #tpu.memory_space<semaphore_mem>> -> memref<!tpu.dma_semaphore, #tpu.memory_space<semaphore_mem>>
    tpu.wait_indirect_dma semaphore(%dma_wait3A_244 : memref<!tpu.dma_semaphore, #tpu.memory_space<semaphore_mem>>) src(%dma_wait3A_242 : memref<1000x128xf32, #tpu.memory_space<vmem_shared>>) dst(%dma_wait3A_236 : memref<64x128xf32, #tpu.memory_space<vmem>>)
    %dma_wait3A_245 = arith.constant 5 : i32
    %dma_wait3A_246 = arith.constant 2 : i32
    %dma_wait3A_247 = arith.constant 5 : i32
    %dma_wait3A_248 = arith.constant 64 : i32
    %dma_wait3A_249 = arith.constant 0 : i32
    %dma_wait3A_250 = tpu.memref_slice %arg6[%dma_wait3A_246, %dma_wait3A_248, %dma_wait3A_249] : memref<4x128x128xf32, #tpu.memory_space<vmem>> -> memref<1x64x128xf32, #tpu.memory_space<vmem>>
    %dma_wait3A_251 = tpu.memref_squeeze %dma_wait3A_250 : memref<1x64x128xf32, #tpu.memory_space<vmem>> -> memref<64x128xf32, #tpu.memory_space<vmem>>
    %dma_wait3A_252 = arith.constant 0 : i32
    %dma_wait3A_253 = tpu.memref_slice %arg5[%dma_wait3A_245, %dma_wait3A_252] : memref<8x64xi32, #tpu.memory_space<vmem>> -> memref<1x64xi32, #tpu.memory_space<vmem>>
    %dma_wait3A_254 = tpu.memref_squeeze %dma_wait3A_253 : memref<1x64xi32, #tpu.memory_space<vmem>> -> memref<64xi32, #tpu.memory_space<vmem>>
    %dma_wait3A_255 = arith.constant 0 : i32
    %dma_wait3A_256 = arith.constant 0 : i32
    %dma_wait3A_257 = tpu.memref_slice %arg7[%dma_wait3A_255, %dma_wait3A_256] : memref<1000x128xf32, #tpu.memory_space<vmem_shared>> -> memref<1000x128xf32, #tpu.memory_space<vmem_shared>>
    %dma_wait3A_258 = tpu.memref_slice %arg9[%dma_wait3A_247] : memref<8x!tpu.dma_semaphore, #tpu.memory_space<semaphore_mem>> -> memref<1x!tpu.dma_semaphore, #tpu.memory_space<semaphore_mem>>
    %dma_wait3A_259 = tpu.memref_squeeze %dma_wait3A_258 : memref<1x!tpu.dma_semaphore, #tpu.memory_space<semaphore_mem>> -> memref<!tpu.dma_semaphore, #tpu.memory_space<semaphore_mem>>
    tpu.wait_indirect_dma semaphore(%dma_wait3A_259 : memref<!tpu.dma_semaphore, #tpu.memory_space<semaphore_mem>>) src(%dma_wait3A_257 : memref<1000x128xf32, #tpu.memory_space<vmem_shared>>) dst(%dma_wait3A_251 : memref<64x128xf32, #tpu.memory_space<vmem>>)
    %add3A_260 = arith.constant 256 : i32
    %add3A_261 = arith.addi %mul3A_2, %add3A_260 : i32
    %dma_start3A_262 = arith.constant 2 : i32
    %dma_start3A_263 = arith.constant 0 : i32
    %dma_start3A_264 = arith.constant 0 : i32
    %dma_start3A_265 = tpu.memref_slice %arg6[%dma_start3A_262, %dma_start3A_263, %dma_start3A_264] : memref<4x128x128xf32, #tpu.memory_space<vmem>> -> memref<1x128x128xf32, #tpu.memory_space<vmem>>
    %dma_start3A_266 = tpu.memref_squeeze %dma_start3A_265 : memref<1x128x128xf32, #tpu.memory_space<vmem>> -> memref<128x128xf32, #tpu.memory_space<vmem>>
    %dma_start3A_267 = arith.constant 0 : i32
    %dma_start3A_268 = tpu.memref_slice %arg4[%add3A_261, %dma_start3A_267] : memref<16384x128xf32, #tpu.memory_space<hbm>> -> memref<128x128xf32, #tpu.memory_space<hbm>>
    %dma_start3A_269 = arith.constant 0 : i32
    %dma_start3A_270 = tpu.memref_slice %arg4[%add3A_261, %dma_start3A_269] : memref<16384x128xf32, #tpu.memory_space<hbm>> -> memref<128x128xf32, #tpu.memory_space<hbm>>
    %dma_start3A_271 = arith.constant 0 : i32
    %dma_start3A_272 = arith.constant 0 : i32
    %dma_start3A_273 = tpu.memref_slice %arg6[%dma_start3A_262, %dma_start3A_271, %dma_start3A_272] : memref<4x128x128xf32, #tpu.memory_space<vmem>> -> memref<1x128x128xf32, #tpu.memory_space<vmem>>
    %dma_start3A_274 = tpu.memref_squeeze %dma_start3A_273 : memref<1x128x128xf32, #tpu.memory_space<vmem>> -> memref<128x128xf32, #tpu.memory_space<vmem>>
    tpu.enqueue_dma source(%dma_start3A_274 : memref<128x128xf32, #tpu.memory_space<vmem>>) target(%dma_start3A_270 : memref<128x128xf32, #tpu.memory_space<hbm>>) target_semaphore(%arg10 : memref<!tpu.dma_semaphore, #tpu.memory_space<semaphore_mem>>)
    %dma_wait3A_275 = arith.constant 6 : i32
    %dma_wait3A_276 = arith.constant 3 : i32
    %dma_wait3A_277 = arith.constant 6 : i32
    %dma_wait3A_278 = arith.constant 0 : i32
    %dma_wait3A_279 = arith.constant 0 : i32
    %dma_wait3A_280 = tpu.memref_slice %arg6[%dma_wait3A_276, %dma_wait3A_278, %dma_wait3A_279] : memref<4x128x128xf32, #tpu.memory_space<vmem>> -> memref<1x64x128xf32, #tpu.memory_space<vmem>>
    %dma_wait3A_281 = tpu.memref_squeeze %dma_wait3A_280 : memref<1x64x128xf32, #tpu.memory_space<vmem>> -> memref<64x128xf32, #tpu.memory_space<vmem>>
    %dma_wait3A_282 = arith.constant 0 : i32
    %dma_wait3A_283 = tpu.memref_slice %arg5[%dma_wait3A_275, %dma_wait3A_282] : memref<8x64xi32, #tpu.memory_space<vmem>> -> memref<1x64xi32, #tpu.memory_space<vmem>>
    %dma_wait3A_284 = tpu.memref_squeeze %dma_wait3A_283 : memref<1x64xi32, #tpu.memory_space<vmem>> -> memref<64xi32, #tpu.memory_space<vmem>>
    %dma_wait3A_285 = arith.constant 0 : i32
    %dma_wait3A_286 = arith.constant 0 : i32
    %dma_wait3A_287 = tpu.memref_slice %arg7[%dma_wait3A_285, %dma_wait3A_286] : memref<1000x128xf32, #tpu.memory_space<vmem_shared>> -> memref<1000x128xf32, #tpu.memory_space<vmem_shared>>
    %dma_wait3A_288 = tpu.memref_slice %arg9[%dma_wait3A_277] : memref<8x!tpu.dma_semaphore, #tpu.memory_space<semaphore_mem>> -> memref<1x!tpu.dma_semaphore, #tpu.memory_space<semaphore_mem>>
    %dma_wait3A_289 = tpu.memref_squeeze %dma_wait3A_288 : memref<1x!tpu.dma_semaphore, #tpu.memory_space<semaphore_mem>> -> memref<!tpu.dma_semaphore, #tpu.memory_space<semaphore_mem>>
    tpu.wait_indirect_dma semaphore(%dma_wait3A_289 : memref<!tpu.dma_semaphore, #tpu.memory_space<semaphore_mem>>) src(%dma_wait3A_287 : memref<1000x128xf32, #tpu.memory_space<vmem_shared>>) dst(%dma_wait3A_281 : memref<64x128xf32, #tpu.memory_space<vmem>>)
    %dma_wait3A_290 = arith.constant 7 : i32
    %dma_wait3A_291 = arith.constant 3 : i32
    %dma_wait3A_292 = arith.constant 7 : i32
    %dma_wait3A_293 = arith.constant 64 : i32
    %dma_wait3A_294 = arith.constant 0 : i32
    %dma_wait3A_295 = tpu.memref_slice %arg6[%dma_wait3A_291, %dma_wait3A_293, %dma_wait3A_294] : memref<4x128x128xf32, #tpu.memory_space<vmem>> -> memref<1x64x128xf32, #tpu.memory_space<vmem>>
    %dma_wait3A_296 = tpu.memref_squeeze %dma_wait3A_295 : memref<1x64x128xf32, #tpu.memory_space<vmem>> -> memref<64x128xf32, #tpu.memory_space<vmem>>
    %dma_wait3A_297 = arith.constant 0 : i32
    %dma_wait3A_298 = tpu.memref_slice %arg5[%dma_wait3A_290, %dma_wait3A_297] : memref<8x64xi32, #tpu.memory_space<vmem>> -> memref<1x64xi32, #tpu.memory_space<vmem>>
    %dma_wait3A_299 = tpu.memref_squeeze %dma_wait3A_298 : memref<1x64xi32, #tpu.memory_space<vmem>> -> memref<64xi32, #tpu.memory_space<vmem>>
    %dma_wait3A_300 = arith.constant 0 : i32
    %dma_wait3A_301 = arith.constant 0 : i32
    %dma_wait3A_302 = tpu.memref_slice %arg7[%dma_wait3A_300, %dma_wait3A_301] : memref<1000x128xf32, #tpu.memory_space<vmem_shared>> -> memref<1000x128xf32, #tpu.memory_space<vmem_shared>>
    %dma_wait3A_303 = tpu.memref_slice %arg9[%dma_wait3A_292] : memref<8x!tpu.dma_semaphore, #tpu.memory_space<semaphore_mem>> -> memref<1x!tpu.dma_semaphore, #tpu.memory_space<semaphore_mem>>
    %dma_wait3A_304 = tpu.memref_squeeze %dma_wait3A_303 : memref<1x!tpu.dma_semaphore, #tpu.memory_space<semaphore_mem>> -> memref<!tpu.dma_semaphore, #tpu.memory_space<semaphore_mem>>
    tpu.wait_indirect_dma semaphore(%dma_wait3A_304 : memref<!tpu.dma_semaphore, #tpu.memory_space<semaphore_mem>>) src(%dma_wait3A_302 : memref<1000x128xf32, #tpu.memory_space<vmem_shared>>) dst(%dma_wait3A_296 : memref<64x128xf32, #tpu.memory_space<vmem>>)
    %add3A_305 = arith.constant 384 : i32
    %add3A_306 = arith.addi %mul3A_2, %add3A_305 : i32
    %dma_start3A_307 = arith.constant 3 : i32
    %dma_start3A_308 = arith.constant 0 : i32
    %dma_start3A_309 = arith.constant 0 : i32
    %dma_start3A_310 = tpu.memref_slice %arg6[%dma_start3A_307, %dma_start3A_308, %dma_start3A_309] : memref<4x128x128xf32, #tpu.memory_space<vmem>> -> memref<1x128x128xf32, #tpu.memory_space<vmem>>
    %dma_start3A_311 = tpu.memref_squeeze %dma_start3A_310 : memref<1x128x128xf32, #tpu.memory_space<vmem>> -> memref<128x128xf32, #tpu.memory_space<vmem>>
    %dma_start3A_312 = arith.constant 0 : i32
    %dma_start3A_313 = tpu.memref_slice %arg4[%add3A_306, %dma_start3A_312] : memref<16384x128xf32, #tpu.memory_space<hbm>> -> memref<128x128xf32, #tpu.memory_space<hbm>>
    %dma_start3A_314 = arith.constant 0 : i32
    %dma_start3A_315 = tpu.memref_slice %arg4[%add3A_306, %dma_start3A_314] : memref<16384x128xf32, #tpu.memory_space<hbm>> -> memref<128x128xf32, #tpu.memory_space<hbm>>
    %dma_start3A_316 = arith.constant 0 : i32
    %dma_start3A_317 = arith.constant 0 : i32
    %dma_start3A_318 = tpu.memref_slice %arg6[%dma_start3A_307, %dma_start3A_316, %dma_start3A_317] : memref<4x128x128xf32, #tpu.memory_space<vmem>> -> memref<1x128x128xf32, #tpu.memory_space<vmem>>
    %dma_start3A_319 = tpu.memref_squeeze %dma_start3A_318 : memref<1x128x128xf32, #tpu.memory_space<vmem>> -> memref<128x128xf32, #tpu.memory_space<vmem>>
    tpu.enqueue_dma source(%dma_start3A_319 : memref<128x128xf32, #tpu.memory_space<vmem>>) target(%dma_start3A_315 : memref<128x128xf32, #tpu.memory_space<hbm>>) target_semaphore(%arg10 : memref<!tpu.dma_semaphore, #tpu.memory_space<semaphore_mem>>)
    %dma_wait3A_320 = arith.constant 0 : i32
    %dma_wait3A_321 = arith.constant 0 : i32
    %dma_wait3A_322 = arith.constant 0 : i32
    %dma_wait3A_323 = tpu.memref_slice %arg6[%dma_wait3A_320, %dma_wait3A_321, %dma_wait3A_322] : memref<4x128x128xf32, #tpu.memory_space<vmem>> -> memref<1x128x128xf32, #tpu.memory_space<vmem>>
    %dma_wait3A_324 = tpu.memref_squeeze %dma_wait3A_323 : memref<1x128x128xf32, #tpu.memory_space<vmem>> -> memref<128x128xf32, #tpu.memory_space<vmem>>
    %dma_wait3A_325 = arith.constant 0 : i32
    %dma_wait3A_326 = tpu.memref_slice %arg4[%add3A_171, %dma_wait3A_325] : memref<16384x128xf32, #tpu.memory_space<hbm>> -> memref<128x128xf32, #tpu.memory_space<hbm>>
    %dma_wait3A_327 = arith.constant 0 : i32
    %dma_wait3A_328 = tpu.memref_slice %arg4[%add3A_171, %dma_wait3A_327] : memref<16384x128xf32, #tpu.memory_space<hbm>> -> memref<128x128xf32, #tpu.memory_space<hbm>>
    %dma_wait3A_329 = arith.constant 0 : i32
    %dma_wait3A_330 = arith.constant 0 : i32
    %dma_wait3A_331 = tpu.memref_slice %arg6[%dma_wait3A_320, %dma_wait3A_329, %dma_wait3A_330] : memref<4x128x128xf32, #tpu.memory_space<vmem>> -> memref<1x128x128xf32, #tpu.memory_space<vmem>>
    %dma_wait3A_332 = tpu.memref_squeeze %dma_wait3A_331 : memref<1x128x128xf32, #tpu.memory_space<vmem>> -> memref<128x128xf32, #tpu.memory_space<vmem>>
    tpu.wait_dma2 semaphore(%arg10 : memref<!tpu.dma_semaphore, #tpu.memory_space<semaphore_mem>>) src(%dma_wait3A_332 : memref<128x128xf32, #tpu.memory_space<vmem>>) dst(%dma_wait3A_328 : memref<128x128xf32, #tpu.memory_space<hbm>>)
    %dma_wait3A_333 = arith.constant 1 : i32
    %dma_wait3A_334 = arith.constant 0 : i32
    %dma_wait3A_335 = arith.constant 0 : i32
    %dma_wait3A_336 = tpu.memref_slice %arg6[%dma_wait3A_333, %dma_wait3A_334, %dma_wait3A_335] : memref<4x128x128xf32, #tpu.memory_space<vmem>> -> memref<1x128x128xf32, #tpu.memory_space<vmem>>
    %dma_wait3A_337 = tpu.memref_squeeze %dma_wait3A_336 : memref<1x128x128xf32, #tpu.memory_space<vmem>> -> memref<128x128xf32, #tpu.memory_space<vmem>>
    %dma_wait3A_338 = arith.constant 0 : i32
    %dma_wait3A_339 = tpu.memref_slice %arg4[%add3A_216, %dma_wait3A_338] : memref<16384x128xf32, #tpu.memory_space<hbm>> -> memref<128x128xf32, #tpu.memory_space<hbm>>
    %dma_wait3A_340 = arith.constant 0 : i32
    %dma_wait3A_341 = tpu.memref_slice %arg4[%add3A_216, %dma_wait3A_340] : memref<16384x128xf32, #tpu.memory_space<hbm>> -> memref<128x128xf32, #tpu.memory_space<hbm>>
    %dma_wait3A_342 = arith.constant 0 : i32
    %dma_wait3A_343 = arith.constant 0 : i32
    %dma_wait3A_344 = tpu.memref_slice %arg6[%dma_wait3A_333, %dma_wait3A_342, %dma_wait3A_343] : memref<4x128x128xf32, #tpu.memory_space<vmem>> -> memref<1x128x128xf32, #tpu.memory_space<vmem>>
    %dma_wait3A_345 = tpu.memref_squeeze %dma_wait3A_344 : memref<1x128x128xf32, #tpu.memory_space<vmem>> -> memref<128x128xf32, #tpu.memory_space<vmem>>
    tpu.wait_dma2 semaphore(%arg10 : memref<!tpu.dma_semaphore, #tpu.memory_space<semaphore_mem>>) src(%dma_wait3A_345 : memref<128x128xf32, #tpu.memory_space<vmem>>) dst(%dma_wait3A_341 : memref<128x128xf32, #tpu.memory_space<hbm>>)
    %dma_wait3A_346 = arith.constant 2 : i32
    %dma_wait3A_347 = arith.constant 0 : i32
    %dma_wait3A_348 = arith.constant 0 : i32
    %dma_wait3A_349 = tpu.memref_slice %arg6[%dma_wait3A_346, %dma_wait3A_347, %dma_wait3A_348] : memref<4x128x128xf32, #tpu.memory_space<vmem>> -> memref<1x128x128xf32, #tpu.memory_space<vmem>>
    %dma_wait3A_350 = tpu.memref_squeeze %dma_wait3A_349 : memref<1x128x128xf32, #tpu.memory_space<vmem>> -> memref<128x128xf32, #tpu.memory_space<vmem>>
    %dma_wait3A_351 = arith.constant 0 : i32
    %dma_wait3A_352 = tpu.memref_slice %arg4[%add3A_261, %dma_wait3A_351] : memref<16384x128xf32, #tpu.memory_space<hbm>> -> memref<128x128xf32, #tpu.memory_space<hbm>>
    %dma_wait3A_353 = arith.constant 0 : i32
    %dma_wait3A_354 = tpu.memref_slice %arg4[%add3A_261, %dma_wait3A_353] : memref<16384x128xf32, #tpu.memory_space<hbm>> -> memref<128x128xf32, #tpu.memory_space<hbm>>
    %dma_wait3A_355 = arith.constant 0 : i32
    %dma_wait3A_356 = arith.constant 0 : i32
    %dma_wait3A_357 = tpu.memref_slice %arg6[%dma_wait3A_346, %dma_wait3A_355, %dma_wait3A_356] : memref<4x128x128xf32, #tpu.memory_space<vmem>> -> memref<1x128x128xf32, #tpu.memory_space<vmem>>
    %dma_wait3A_358 = tpu.memref_squeeze %dma_wait3A_357 : memref<1x128x128xf32, #tpu.memory_space<vmem>> -> memref<128x128xf32, #tpu.memory_space<vmem>>
    tpu.wait_dma2 semaphore(%arg10 : memref<!tpu.dma_semaphore, #tpu.memory_space<semaphore_mem>>) src(%dma_wait3A_358 : memref<128x128xf32, #tpu.memory_space<vmem>>) dst(%dma_wait3A_354 : memref<128x128xf32, #tpu.memory_space<hbm>>)
    %dma_wait3A_359 = arith.constant 3 : i32
    %dma_wait3A_360 = arith.constant 0 : i32
    %dma_wait3A_361 = arith.constant 0 : i32
    %dma_wait3A_362 = tpu.memref_slice %arg6[%dma_wait3A_359, %dma_wait3A_360, %dma_wait3A_361] : memref<4x128x128xf32, #tpu.memory_space<vmem>> -> memref<1x128x128xf32, #tpu.memory_space<vmem>>
    %dma_wait3A_363 = tpu.memref_squeeze %dma_wait3A_362 : memref<1x128x128xf32, #tpu.memory_space<vmem>> -> memref<128x128xf32, #tpu.memory_space<vmem>>
    %dma_wait3A_364 = arith.constant 0 : i32
    %dma_wait3A_365 = tpu.memref_slice %arg4[%add3A_306, %dma_wait3A_364] : memref<16384x128xf32, #tpu.memory_space<hbm>> -> memref<128x128xf32, #tpu.memory_space<hbm>>
    %dma_wait3A_366 = arith.constant 0 : i32
    %dma_wait3A_367 = tpu.memref_slice %arg4[%add3A_306, %dma_wait3A_366] : memref<16384x128xf32, #tpu.memory_space<hbm>> -> memref<128x128xf32, #tpu.memory_space<hbm>>
    %dma_wait3A_368 = arith.constant 0 : i32
    %dma_wait3A_369 = arith.constant 0 : i32
    %dma_wait3A_370 = tpu.memref_slice %arg6[%dma_wait3A_359, %dma_wait3A_368, %dma_wait3A_369] : memref<4x128x128xf32, #tpu.memory_space<vmem>> -> memref<1x128x128xf32, #tpu.memory_space<vmem>>
    %dma_wait3A_371 = tpu.memref_squeeze %dma_wait3A_370 : memref<1x128x128xf32, #tpu.memory_space<vmem>> -> memref<128x128xf32, #tpu.memory_space<vmem>>
    tpu.wait_dma2 semaphore(%arg10 : memref<!tpu.dma_semaphore, #tpu.memory_space<semaphore_mem>>) src(%dma_wait3A_371 : memref<128x128xf32, #tpu.memory_space<vmem>>) dst(%dma_wait3A_367 : memref<128x128xf32, #tpu.memory_space<hbm>>)
    return
  }
}

</mosaic_0001>

<sc_bundles>
// kernel: kernel.3.cloned.1.call-start
scs
__scs_entry_jumppad:
0x0: {  	(pc) =	sbr.rel $0x88, $3  }
0x1: {  	(tag) =	ssettag $0x0;
	lr =	simm.s32 $0x1  }
0x2: {  	[smem:$0x3F9F] =	sst lr;
	_ =	strace $0xD0000000  }
0x3: {  	_ = 	snop  }
0x4: {  	_ = 	snop  }
0x5: {  	_ = 	snop  }
0x6: {  	_ = 	snop  }
0x7: {  	_ = 	snop  }
__scs_overlays_trampoline_lowered:
0x8: {  	[smem:$0x3FAE] =	sst s0  }
0x9: {  	[smem:$0x3FAF] =	sst s1  }
0xa: {  	[smem:$0x3FB0] =	sst s2  }
0xb: {  	[smem:$0x3FB1] =	sst s3  }
0xc: {  	[smem:$0x3FB2] =	sst s4  }
0xd: {  	[smem:$0x3FB3] =	sst s5  }
0xe: {  	[smem:$0x3FB4] =	sst s6  }
0xf: {  	[smem:$0x3FB5] =	sst s7  }
0x10: {  	[smem:$0x3FB6] =	sst s8  }
0x11: {  	[smem:$0x3FB7] =	sst s9;
	s0 =	simm.s32 @!p0 $0x0  }
0x12: {  	s1 =	sld [smem:$0x3F9D];
	s0 =	simm.s32 @p0 $0x1  }
0x13: {  	[smem:$0x3FB8] =	sst s0;
	s0 =	simm.s32 @!p1 $0x0  }
0x14: {  	s2 =	sld [smem:$0x3F9C];
	s0 =	simm.s32 @p1 $0x1  }
0x15: {  	[smem:$0x3FB9] =	sst s0;
	s0 =	simm.s32 @!p2 $0x0  }
0x16: {  	s3 =	sld [smem:$0x3FDB];
	s0 =	simm.s32 @p2 $0x1  }
0x17: {  	s4 =	simm.s32 $0x1BF5;
	[smem:$0x3FBB] =	sst s0  }
0x18: {  	s0 =	sld [smem:$0x3F9E];
	_ =	swait.ge [sflag:s4], $0x0  }
0x19: {  	s7 =	sld [smem:$0x3F9F]  }
0x1a: {  	s8 =	sadd.s32 $0xFFFFE003, lr  }
0x1b: {  	s9 =	sadd.s32 $0xFFFFFEF7, lr;
	s5 =	simm.s32 $0xFFFFFFFF;
	p2 =	slt.u32 s8, $0xFFFFF086  }
0x1c: {  	p1 =	slt.u32 s9, $0xF7A;
	s5 =	simm.s32 @!p2 $0x0  }
0x1d: {  	s5 =	simm.s32 @p1 $0x1;
	p0 =	seq.s32 s7, s2  }
0x1e: {  	s7 =	smul.u32 @!p0 $0xF7A, s2;
	p2 =	seq.s32 @!p0 s5, $0x0  }
0x1f: {  	s9 =	smul.u32 $0xF7A, s1;
	s8 =	simm.s32 @!p0 $0x1BF5;
	p2 =	por !p2, p0  }
0x20: {  	[sflag:s8] =	ssyncset.s32 @!p0 $0xFFFFF086;
	s6 =	sadd.s32 @!p0 s3, s7;
	s7 =	simm.s32 @!p0 $0x108  }
0x21: {  	s3 =	sadd.s32 s3, s9;
	s6 =	sadd.s32 @!p0 $0x88, s6;
	s7 =	simm.s32 @p2 $0x1082  }
0x22: {  	[simem:s7], [sflag:s8] =	dma.local @!p0 [hbm:s6], $0xF7A  }
0x23: {  	s9 =	sor.u32 $0xD0000000, s2;
	s6 =	simm.s32 $0x108;
	_ =	swait.ge @!p0 [sflag:s8], $0x0  }
0x24: {  	s3 =	sadd.s32 $0x88, s3;
	s6 =	simm.s32 @!p1 $0x1082;
	[sflag:s4] =	ssyncset.s32 $0xFFFFF086  }
0x25: {  	[simem:s6], [sflag:s4] =	dma.local [hbm:s3], $0xF7A  }
0x26: {  	[smem:$0x3F9F] =	sst s1;
	(tag) =	ssettag s2;
	_ =	strace s9  }
0x27: {  	s1 =	sld [smem:$0x3FAF]  }
0x28: {  	s2 =	sld [smem:$0x3FB0]  }
0x29: {  	s4 =	sld [smem:$0x3FB2]  }
0x2a: {  	p0 =	seq.s32 s5, $0x0;
	s5 =	sld [smem:$0x3FB3]  }
0x2b: {  	s6 =	sld [smem:$0x3FB4]  }
0x2c: {  	s7 =	sld [smem:$0x3FB5]  }
0x2d: {  	s3 =	simm.s32 $0x108;
	s8 =	sld [smem:$0x3FB6]  }
0x2e: {  	s3 =	simm.s32 @!p0 $0x1082;
	s9 =	sld [smem:$0x3FB7]  }
0x2f: {  	lr =	sadd.s32 s0, s3;
	s0 =	sld [smem:$0x3FAE]  }
0x30: {  	s3 =	sld [smem:$0x3FB1]  }
0x31: {  	[smem:$0x3FBA] =	sst s10  }
0x32: {  	s10 =	sld [smem:$0x3FB8];
	_ =	sdelay $0x3  }
0x33: {  	p0 =	seq.s32 s10, $0x1;
	s10 =	sld [smem:$0x3FBA];
	_ =	sdelay $0x3  }
0x34: {  	[smem:$0x3FBA] =	sst s10  }
0x35: {  	s10 =	sld [smem:$0x3FB9];
	_ =	sdelay $0x3  }
0x36: {  	p1 =	seq.s32 s10, $0x1;
	s10 =	sld [smem:$0x3FBA];
	_ =	sdelay $0x3  }
0x37: {  	[smem:$0x3FBA] =	sst s10  }
0x38: {  	s10 =	sld [smem:$0x3FBB]  }
0x39: {  	_ = 	snop;
	(pc) =	sbr.ind lr, $3  }
0x3a: {  	_ = 	snop  }
0x3b: {  	_ = 	snop  }
0x3c: {  	p2 =	seq.s32 s10, $0x1;
	s10 =	sld [smem:$0x3FBA]  }
0x3d: {  	_ =	shalt  }
0x3e: {  	_ =	shalt  }
0x3f: {  	_ =	shalt  }
0x40: {  	_ =	shalt  }
0x41: {  	_ =	shalt  }
0x42: {  	_ =	shalt  }
0x43: {  	_ =	shalt  }
0x44: {  	_ =	shalt  }
0x45: {  	_ =	shalt  }
0x46: {  	_ =	shalt  }
0x47: {  	_ =	shalt  }
0x48: {  	_ =	shalt  }
0x49: {  	_ =	shalt  }
0x4a: {  	_ =	shalt  }
0x4b: {  	_ =	shalt  }
0x4c: {  	_ =	shalt  }
0x4d: {  	_ =	shalt  }
0x4e: {  	_ =	shalt  }
0x4f: {  	_ =	shalt  }
0x50: {  	_ =	shalt  }
0x51: {  	_ =	shalt  }
0x52: {  	_ =	shalt  }
0x53: {  	_ =	shalt  }
0x54: {  	_ =	shalt  }
0x55: {  	_ =	shalt  }
0x56: {  	_ =	shalt  }
0x57: {  	_ =	shalt  }
0x58: {  	_ =	shalt  }
0x59: {  	_ =	shalt  }
0x5a: {  	_ =	shalt  }
0x5b: {  	_ =	shalt  }
0x5c: {  	_ =	shalt  }
0x5d: {  	_ =	shalt  }
0x5e: {  	_ =	shalt  }
0x5f: {  	_ =	shalt  }
0x60: {  	_ =	shalt  }
0x61: {  	_ =	shalt  }
0x62: {  	_ =	shalt  }
0x63: {  	_ =	shalt  }
0x64: {  	_ =	shalt  }
0x65: {  	_ =	shalt  }
0x66: {  	_ =	shalt  }
0x67: {  	_ =	shalt  }
0x68: {  	_ =	shalt  }
0x69: {  	_ =	shalt  }
0x6a: {  	_ =	shalt  }
0x6b: {  	_ =	shalt  }
0x6c: {  	_ =	shalt  }
0x6d: {  	_ =	shalt  }
0x6e: {  	_ =	shalt  }
0x6f: {  	_ =	shalt  }
0x70: {  	_ =	shalt  }
0x71: {  	_ =	shalt  }
0x72: {  	_ =	shalt  }
0x73: {  	_ =	shalt  }
0x74: {  	_ =	shalt  }
0x75: {  	_ =	shalt  }
0x76: {  	_ =	shalt  }
0x77: {  	_ =	shalt  }
0x78: {  	_ =	shalt  }
0x79: {  	_ =	shalt  }
0x7a: {  	_ =	shalt  }
0x7b: {  	_ =	shalt  }
0x7c: {  	_ =	shalt  }
0x7d: {  	_ =	shalt  }
0x7e: {  	_ =	shalt  }
0x7f: {  	_ =	shalt  }
0x80: {  	_ =	shalt  }
0x81: {  	_ =	shalt  }
0x82: {  	_ =	shalt  }
0x83: {  	_ =	shalt  }
0x84: {  	_ =	shalt  }
0x85: {  	_ =	shalt  }
0x86: {  	_ =	shalt  }
0x87: {  	_ =	shalt  }
.Lfunc_end0:
.L_simem_size_0:
called_computation_lowered:
.L_overlay_start_0:
0x88: {  	s2 =	sld [smem:$0x3FD9]  }
0x89: {  	s3 =	sld [smem:$0x3FFE];
	_ =	sdelay $0x1  }
0x8a: {  	s1 =	srdreg.scid  }
0x8b: {  	s0 =	sand.u32 $0x1, s1  }
0x8c: {  	s17 =	sshll.u32 s0, $0xA;
	s2 =	sadd.s32 s3, s2  }
0x8d: {  	s2 =	sadd.s32 s2, s17  }
0x8e: {  	[smem:$0x3FC6] =	sst s2  }
0x8f: {  	_ = 	snop  }
0x90: {  	s2 =	sld [smem:$0x3FC8]  }
0x91: {  	s18 =	sld [smem:$0x3FD0];
	(tm) =	ssettm $0x1  }
0x92: {  	s4 =	sld [smem:$0x3FFB];
	_ =	sdelay $0x3  }
0x93: {  	_ =	strace s4  }
0x94: {  	s4 =	sld [smem:$0x3FFC];
	_ =	sdelay $0x3  }
0x95: {  	_ =	strace s4  }
0x96: {  	s4 =	sld [smem:$0x3FFD];
	_ =	sdelay $0x3  }
0x97: {  	_ =	strace s4  }
0x98: {  	_ =	strace $0x8FFFFFFF  }
0x99: {  	s19 =	sld [smem:$0x3FDB];
	_ =	sdelay $0x1  }
0x9a: {  	s5 =	simm.s32 $_scs_section_size  }
0x9b: {  	s6 =	simm.s32 $_size__tile_overlayer_lowered;
	s7 =	simm.s32 $_tile_overlayer_lowered  }
0x9c: {  	s22 =	simm.s32 $0x1BFF;
	s21 =	sshll.u32 s7, $0x1;
	s4 =	sadd.s32 s5, s19  }
0x9d: {  	s8 =	simm.s32 $0x0;
	s20 =	sshll.u32 s6, $0x1;
	s6 =	sadd.s32 s21, s4  }
0x9e: {  	[timem:s8], [sflag:s22] =	dma.local [hbm:s6], s20  }
0x9f: {  	_ =	swait.ge [sflag:s22], s20  }
0xa0: {  	s5 =	ssub.s32 $0x0, s20;
	[sflag:s22] =	ssyncset.done $0x0  }
0xa1: {  	[sflag:s22] =	ssyncadd.s32 s5;
	_ =	sdelay $0x1  }
0xa2: {  	s23 =	simm.s32 $0x1B8B  }
0xa3: {  	_ =	swait.ge [sflag:s23], $0x1  }
0xa4: {  	[sflag:s23] =	ssyncset.done $0x0  }
0xa5: {  	s25 =	simm.s32 $0x1B8E;
	s24 =	sld [smem:$0x3FFE];
	[sflag:s23] =	ssyncadd.s32 $0xFFFFFFFF  }
0xa6: {  	s26 =	simm.s32 $execute0_lowered;
	[smem:$0x3FD2] =	sst s25  }
0xa7: {  	s6 =	sshll.u32 s26, $0x1;
	_ =	strace $0x80000046;
	[dreg:$0x1] =	wrdreg $0xFFFFFFFF  }
0xa8: {  	s28 =	simm.s32 $_size_execute0_lowered;
	s4 =	sadd.s32 s4, s6;
	[dreg:$0x0] =	wrdreg $0x0  }
0xa9: {  	s6 =	sshll.u32 s28, $0x1;
	[dreg:$0x2] =	wrdreg s4  }
0xaa: {  	[dreg:$0x3] =	wrdreg s6  }
0xab: {  	[dreg:$0x4] =	wrdreg $0xC0  }
0xac: {  	_ =	task [dreg:s8], $0x5FFFF  }
0xad: {  	[dreg:$0x1] =	wrdreg $0xFFFFFFFF  }
0xae: {  	[dreg:$0x0] =	wrdreg $0x60  }
0xaf: {  	[dreg:$0x2] =	wrdreg s24  }
0xb0: {  	[dreg:$0x3] =	wrdreg s2  }
0xb1: {  	[dreg:$0x4] =	wrdreg s18  }
0xb2: {  	[dreg:$0x5] =	wrdreg $0x104000  }
0xb3: {  	[dreg:$0x6] =	wrdreg $0x9  }
0xb4: {  	_ =	task.clear_ibuf [dreg:s8], $0x7FFFF;
	_ =	strace $0x90000046  }
0xb5: {  	s29 =	simm.s32 $0x9;
	_ =	strace $0x80000048  }
0xb6: {  	_ =	swait.ge [sflag:s29], $0x1  }
0xb7: {  	[sflag:s29] =	ssyncadd.s32 $0xFFFFFFFF  }
0xb8: {  	_ =	strace $0x90000048  }
0xb9: {  	_ =	sfence  }
0xba: {  	s30 =	sld [smem:$0x0];
	_ =	sdelay $0x2  }
0xbb: {  	s31 =	sshll.u32 s1, $0xD;
	s1 =	sshrl.u32 s1, $0x2  }
0xbc: {  	s3 =	sand.u32 $0x4000, s31;
	s1 =	sadd.s32 s1, s30  }
0xbd: {  	s0 =	sor.u32 s3, s0;
	s1 =	sshll.u32 s1, $0x11  }
0xbe: {  	s0 =	sor.u32 s1, s0  }
0xbf: {  	s0 =	sadd.s32 $0x8F2B, s0  }
0xc0: {  	[sflag:s0] =	ssyncadd.remote.s32 $0x1  }
0xc1: {  	_ =	sfence.sel $0xFFFF  }
0xc2: {  	[dreg:$0x0] =	wrdreg $0xFFFFFFFF;
	(pc) =	sbr.abs _section_cstart, $3  }
0xc3: {  	[dreg:$0x1] =	wrdreg $0xFFFFFFFF  }
0xc4: {  	_ =	task.clear_ibuf [dreg:s8], $0x2FFFF;
	_ =	strace $0x9FFFFFFF  }
0xc5: {  	(tm) =	ssettm $0x7FFFFFFF  }
tec
execute0_lowered:
.L_overlay_start_1:
0x0: {  	(tag) =	ssettag $0x1  }
0x1: {  	s4 =	rddreg [dreg:$0x0]  }
0x2: {  	s5 =	rddreg [dreg:$0x1]  }
0x3: {  	s6 =	rddreg [dreg:$0x2];
	s1 =	srdreg.scid  }
0x4: {  	s0 =	stileid.u32;
	s2 =	rddreg [dreg:$0x3]  }
0x5: {  	s22 =	simm.s32 $0x80;
	s1 =	sand.u32 $0x1, s1;
	s3 =	sshll.u32 s0, $0x1  }
0x6: {  	s9 =	sshll.u32 s0, $0x6;
	s7 =	sor.u32 s1, s3;
	s3 =	simm.s32 $0x0  }
0x7: {  	s11 =	smin.u32 s9, $0x3A8;
	s14 =	sor.u32 $0x1C0B, s9;
	[smem:$0x7FF] =	sst s3  }
0x8: {  	s10 =	sshll.u32 s11, $0x4;
	_ =	strace $0x80000047;
	[dreg:$0x7] =	wrdreg s14  }
0x9: {  	s8 =	sshll.u32 s7, $0x7;
	s12 =	sadd.s32 s5, s10;
	[dreg:$0xc] =	wrdreg s22  }
0xa: {  	s4 =	sadd.s32 s8, s4;
	[dreg:$0x6] =	wrdreg s12  }
0xb: {  	s4 =	sadd.s32 $0x400, s4;
	s19 =	rddreg [dreg:$0x7]  }
0xc: {  	s13 =	sshll.u32 s7, $0xD;
	[dreg:$0x5] =	wrdreg s4  }
0xd: {  	s4 =	sadd.s32 s6, s13;
	s20 =	rddreg [dreg:$0x6]  }
0xe: {  	s5 =	sadd.s32 $0x800, s4;
	s21 =	rddreg [dreg:$0x5]  }
0xf: {  	s15 =	sshll.u32 s11, $0x7;
	s16 =	sadd.s32 $0x1000, s4;
	[dreg:$0x8] =	wrdreg s5  }
0x10: {  	s6 =	sadd.s32 s15, s2;
	s17 =	sadd.s32 $0x1800, s4;
	[dreg:$0x9] =	wrdreg s16  }
0x11: {  	s18 =	sshrl.u32 s6, $0x3;
	[dreg:$0xa] =	wrdreg s17  }
0x12: {  	[dreg:$0xb] =	wrdreg s18  }
0x13: {  	[tilespmem:s3], [sflag:$0x1] =	stream.linear.gather [hbm4b:s21+s3], $0x400, $0x38;
	[tilespmem:$0x12340] =	vst v63  }
0x14: {  	s5 =	simm.s32 $0xB;
	s23 =	rddreg [dreg:$0xb]  }
0x15: {  	[spmem:s23], [sflag:s19] =	dma.local [hbm:s20], $0x400  }
0x16: {  	_ =	swait.ge [sflag:s5], $0x400  }
0x17: {  	[sflag:s5] =	ssyncset.done $0x0  }
0x18: {  	[sflag:s5] =	ssyncadd.s32 $0xFFFFFC00  }
0x19: {  	s6 =	simm.s32 $0x1;
	[bflag:$0x0] =	sbarrier.arrive $0xFFFF  }
0x1a: {  	_ =	swait.ge [sflag:s6], $0x400  }
0x1b: {  	[sflag:s6] =	ssyncset.done $0x0  }
0x1c: {  	s7 =	simm.s32 $0x40;
	s8 =	simm.s32 $0x400;
	[sflag:s6] =	ssyncadd.s32 $0xFFFFFC00  }
0x1d: {  	[tilespmem:s8], [sflag:$0x2] =	stream.indirect.gather [spmem:s2], $0x80, s3, s7, $0xb8;
	[tilespmem:$0x12340] =	vst v63  }
0x1e: {  	s25 =	simm.s32 $0x2400;
	s24 =	rddreg [dreg:$0xc]  }
0x1f: {  	[tilespmem:s25], [sflag:$0x3] =	stream.indirect.gather [spmem:s2], $0x80, s24, s7, $0xb8;
	[tilespmem:$0x12340] =	vst v63  }
0x20: {  	s26 =	simm.s32 $0x100;
	s11 =	simm.s32 $0x4400  }
0x21: {  	[tilespmem:s11], [sflag:$0x4] =	stream.indirect.gather [spmem:s2], $0x80, s26, s7, $0xb8;
	[tilespmem:$0x12340] =	vst v63  }
0x22: {  	s9 =	simm.s32 $0x180;
	s10 =	simm.s32 $0x6400  }
0x23: {  	[tilespmem:s10], [sflag:$0x5] =	stream.indirect.gather [spmem:s2], $0x80, s9, s7, $0xb8;
	[tilespmem:$0x12340] =	vst v63  }
0x24: {  	s14 =	simm.s32 $0x200;
	s15 =	simm.s32 $0x8400  }
0x25: {  	[tilespmem:s15], [sflag:$0x6] =	stream.indirect.gather [spmem:s2], $0x80, s14, s7, $0xb8;
	[tilespmem:$0x12340] =	vst v63  }
0x26: {  	s16 =	simm.s32 $0x280;
	s17 =	simm.s32 $0xA400  }
0x27: {  	[tilespmem:s17], [sflag:$0x7] =	stream.indirect.gather [spmem:s2], $0x80, s16, s7, $0xb8;
	[tilespmem:$0x12340] =	vst v63  }
0x28: {  	s18 =	simm.s32 $0x300;
	s19 =	simm.s32 $0xC400  }
0x29: {  	[tilespmem:s19], [sflag:$0x8] =	stream.indirect.gather [spmem:s2], $0x80, s18, s7, $0xb8;
	[tilespmem:$0x12340] =	vst v63  }
0x2a: {  	s22 =	simm.s32 $0x2;
	s21 =	simm.s32 $0xE400;
	s20 =	simm.s32 $0x380  }
0x2b: {  	[tilespmem:s21], [sflag:$0x9] =	stream.indirect.gather [spmem:s2], $0x80, s20, s7, $0xb8;
	[tilespmem:$0x12340] =	vst v63  }
0x2c: {  	_ =	swait.ge [sflag:s22], $0x2000  }
0x2d: {  	[sflag:s22] =	ssyncset.done $0x0  }
0x2e: {  	s23 =	simm.s32 $0x3;
	[sflag:s22] =	ssyncadd.s32 $0xFFFFE000  }
0x2f: {  	_ =	swait.ge [sflag:s23], $0x2000  }
0x30: {  	[sflag:s23] =	ssyncset.done $0x0  }
0x31: {  	s24 =	simm.s32 $0x4;
	[sflag:s23] =	ssyncadd.s32 $0xFFFFE000  }
0x32: {  	[hbm4b:s4+s3] =	stream.linear.scatter [tilespmem:s8], [sflag:$0xA], $0x4000, $0x38;
	[tilespmem:$0x12340] =	vst v63  }
0x33: {  	_ =	swait.ge [sflag:s24], $0x2000  }
0x34: {  	[sflag:s24] =	ssyncset.done $0x0  }
0x35: {  	s25 =	simm.s32 $0x5;
	[sflag:s24] =	ssyncadd.s32 $0xFFFFE000  }
0x36: {  	_ =	swait.ge [sflag:s25], $0x2000  }
0x37: {  	[sflag:s25] =	ssyncset.done $0x0  }
0x38: {  	s26 =	rddreg [dreg:$0x8];
	[sflag:s25] =	ssyncadd.s32 $0xFFFFE000  }
0x39: {  	[hbm4b:s26+s3] =	stream.linear.scatter [tilespmem:s11], [sflag:$0xA], $0x4000, $0x38;
	[tilespmem:$0x12340] =	vst v63  }
0x3a: {  	s26 =	simm.s32 $0x6  }
0x3b: {  	_ =	swait.ge [sflag:s26], $0x2000  }
0x3c: {  	[sflag:s26] =	ssyncset.done $0x0  }
0x3d: {  	s28 =	simm.s32 $0x7;
	[sflag:s26] =	ssyncadd.s32 $0xFFFFE000  }
0x3e: {  	_ =	swait.ge [sflag:s28], $0x2000  }
0x3f: {  	[sflag:s28] =	ssyncset.done $0x0  }
0x40: {  	s29 =	rddreg [dreg:$0x9];
	[sflag:s28] =	ssyncadd.s32 $0xFFFFE000  }
0x41: {  	[hbm4b:s29+s3] =	stream.linear.scatter [tilespmem:s15], [sflag:$0xA], $0x4000, $0x38;
	[tilespmem:$0x12340] =	vst v63  }
0x42: {  	s29 =	simm.s32 $0x8  }
0x43: {  	_ =	swait.ge [sflag:s29], $0x2000  }
0x44: {  	[sflag:s29] =	ssyncset.done $0x0  }
0x45: {  	s30 =	simm.s32 $0x9;
	[sflag:s29] =	ssyncadd.s32 $0xFFFFE000  }
0x46: {  	_ =	swait.ge [sflag:s30], $0x2000  }
0x47: {  	[sflag:s30] =	ssyncset.done $0x0  }
0x48: {  	s31 =	rddreg [dreg:$0xa];
	[sflag:s30] =	ssyncadd.s32 $0xFFFFE000  }
0x49: {  	[hbm4b:s31+s3] =	stream.linear.scatter [tilespmem:s19], [sflag:$0xA], $0x4000, $0x38;
	[tilespmem:$0x12340] =	vst v63  }
0x4a: {  	s31 =	simm.s32 $0xA  }
0x4b: {  	s1 =	ssub.s32 $0x2, s1;
	_ =	swait.ge [sflag:s31], $0x4000  }
0x4c: {  	s12 =	sshrl.u32 s1, $0x1;
	[sflag:s31] =	ssyncset.done $0x0  }
0x4d: {  	s0 =	ssub.s32 s1, s12;
	[sflag:s31] =	ssyncadd.s32 $0xFFFFC000  }
0x4e: {  	s0 =	smax.u32 s0, $0x1;
	_ =	swait.ge [sflag:s31], $0x4000  }
0x4f: {  	p0 =	sne.s32 s0, $0x1;
	[sflag:s31] =	ssyncset.done $0x0  }
.Ltmp0:
0x50: {  	[sflag:s31] =	ssyncadd.s32 $0xFFFFC000;
	(pc) =	sbr.rel @!p0 .LBB2_2-.Ltmp0, $4  }
0x51: {  	_ =	swait.ge [sflag:s31], $0x4000  }
0x52: {  	[sflag:s31] =	ssyncset.done $0x0  }
0x53: {  	[sflag:s31] =	ssyncadd.s32 $0xFFFFC000  }
0x54: {  	s13 =	simm.s32 $0x6400;
	s1 =	sadd.s32 $0xFFFFFFFF, s0;
	_ =	swait.ge [sflag:s31], $0x4000  }
.LBB2_1:
0x55: {  	s0 =	rddreg [dreg:$0x7]  }
0x56: {  	s9 =	rddreg [dreg:$0x6]  }
0x57: {  	[sflag:s31] =	ssyncset.done $0x0;
	s10 =	rddreg [dreg:$0x5]  }
0x58: {  	s12 =	rddreg [dreg:$0xb];
	[sflag:s31] =	ssyncadd.s32 $0xFFFFC000  }
0x59: {  	[tilespmem:s3], [sflag:$0x1] =	stream.linear.gather [hbm4b:s10+s3], $0x400, $0x38;
	[tilespmem:$0x12340] =	vst v63  }
0x5a: {  	[spmem:s12], [sflag:s0] =	dma.local [hbm:s9], $0x400  }
0x5b: {  	_ =	swait.ge [sflag:s5], $0x400  }
0x5c: {  	[sflag:s5] =	ssyncset.done $0x0  }
0x5d: {  	[sflag:s5] =	ssyncadd.s32 $0xFFFFFC00  }
0x5e: {  	[bflag:$0x0] =	sbarrier.arrive $0xFFFF  }
0x5f: {  	_ =	swait.ge [sflag:s6], $0x400  }
0x60: {  	[sflag:s6] =	ssyncset.done $0x0  }
0x61: {  	[sflag:s6] =	ssyncadd.s32 $0xFFFFFC00  }
0x62: {  	[tilespmem:s8], [sflag:$0x2] =	stream.indirect.gather [spmem:s2], $0x80, s3, s7, $0xb8;
	[tilespmem:$0x12340] =	vst v63  }
0x63: {  	s12 =	simm.s32 $0x2400;
	s10 =	rddreg [dreg:$0xc]  }
0x64: {  	[tilespmem:s12], [sflag:$0x3] =	stream.indirect.gather [spmem:s2], $0x80, s10, s7, $0xb8;
	[tilespmem:$0x12340] =	vst v63  }
0x65: {  	s10 =	simm.s32 $0x100  }
0x66: {  	[tilespmem:s11], [sflag:$0x4] =	stream.indirect.gather [spmem:s2], $0x80, s10, s7, $0xb8;
	[tilespmem:$0x12340] =	vst v63  }
0x67: {  	s12 =	simm.s32 $0x180  }
0x68: {  	[tilespmem:s13], [sflag:$0x5] =	stream.indirect.gather [spmem:s2], $0x80, s12, s7, $0xb8;
	[tilespmem:$0x12340] =	vst v63  }
0x69: {  	_ = 	snop  }
0x6a: {  	[tilespmem:s15], [sflag:$0x6] =	stream.indirect.gather [spmem:s2], $0x80, s14, s7, $0xb8;
	[tilespmem:$0x12340] =	vst v63  }
0x6b: {  	_ = 	snop  }
0x6c: {  	[tilespmem:s17], [sflag:$0x7] =	stream.indirect.gather [spmem:s2], $0x80, s16, s7, $0xb8;
	[tilespmem:$0x12340] =	vst v63  }
0x6d: {  	_ = 	snop  }
0x6e: {  	[tilespmem:s19], [sflag:$0x8] =	stream.indirect.gather [spmem:s2], $0x80, s18, s7, $0xb8;
	[tilespmem:$0x12340] =	vst v63  }
0x6f: {  	_ = 	snop  }
0x70: {  	[tilespmem:s21], [sflag:$0x9] =	stream.indirect.gather [spmem:s2], $0x80, s20, s7, $0xb8;
	[tilespmem:$0x12340] =	vst v63  }
0x71: {  	_ =	swait.ge [sflag:s22], $0x2000  }
0x72: {  	[sflag:s22] =	ssyncset.done $0x0  }
0x73: {  	[sflag:s22] =	ssyncadd.s32 $0xFFFFE000  }
0x74: {  	_ =	swait.ge [sflag:s23], $0x2000  }
0x75: {  	[sflag:s23] =	ssyncset.done $0x0  }
0x76: {  	[sflag:s23] =	ssyncadd.s32 $0xFFFFE000  }
0x77: {  	[hbm4b:s4+s3] =	stream.linear.scatter [tilespmem:s8], [sflag:$0xA], $0x4000, $0x38;
	[tilespmem:$0x12340] =	vst v63  }
0x78: {  	_ =	swait.ge [sflag:s24], $0x2000  }
0x79: {  	[sflag:s24] =	ssyncset.done $0x0  }
0x7a: {  	[sflag:s24] =	ssyncadd.s32 $0xFFFFE000  }
0x7b: {  	_ =	swait.ge [sflag:s25], $0x2000  }
0x7c: {  	[sflag:s25] =	ssyncset.done $0x0  }
0x7d: {  	s9 =	rddreg [dreg:$0x8];
	[sflag:s25] =	ssyncadd.s32 $0xFFFFE000  }
0x7e: {  	[hbm4b:s9+s3] =	stream.linear.scatter [tilespmem:s11], [sflag:$0xA], $0x4000, $0x38;
	[tilespmem:$0x12340] =	vst v63  }
0x7f: {  	_ =	swait.ge [sflag:s26], $0x2000  }
0x80: {  	[sflag:s26] =	ssyncset.done $0x0  }
0x81: {  	[sflag:s26] =	ssyncadd.s32 $0xFFFFE000  }
0x82: {  	_ =	swait.ge [sflag:s28], $0x2000  }
0x83: {  	[sflag:s28] =	ssyncset.done $0x0  }
0x84: {  	s10 =	rddreg [dreg:$0x9];
	[sflag:s28] =	ssyncadd.s32 $0xFFFFE000  }
0x85: {  	[hbm4b:s10+s3] =	stream.linear.scatter [tilespmem:s15], [sflag:$0xA], $0x4000, $0x38;
	[tilespmem:$0x12340] =	vst v63  }
0x86: {  	_ =	swait.ge [sflag:s29], $0x2000  }
0x87: {  	[sflag:s29] =	ssyncset.done $0x0  }
0x88: {  	[sflag:s29] =	ssyncadd.s32 $0xFFFFE000  }
0x89: {  	_ =	swait.ge [sflag:s30], $0x2000  }
0x8a: {  	[sflag:s30] =	ssyncset.done $0x0  }
0x8b: {  	s12 =	rddreg [dreg:$0xa];
	[sflag:s30] =	ssyncadd.s32 $0xFFFFE000  }
0x8c: {  	[hbm4b:s12+s3] =	stream.linear.scatter [tilespmem:s19], [sflag:$0xA], $0x4000, $0x38;
	[tilespmem:$0x12340] =	vst v63  }
0x8d: {  	_ =	swait.ge [sflag:s31], $0x4000  }
0x8e: {  	[sflag:s31] =	ssyncset.done $0x0  }
0x8f: {  	[sflag:s31] =	ssyncadd.s32 $0xFFFFC000  }
0x90: {  	_ =	swait.ge [sflag:s31], $0x4000  }
0x91: {  	p0 =	sne.s32 s1, $0x1;
	[sflag:s31] =	ssyncset.done $0x0  }
.Ltmp1:
0x92: {  	[sflag:s31] =	ssyncadd.s32 $0xFFFFC000;
	(pc) =	sbr.rel @p0 .LBB2_1-.Ltmp1, $4  }
0x93: {  	_ =	swait.ge [sflag:s31], $0x4000  }
0x94: {  	[sflag:s31] =	ssyncset.done $0x0  }
0x95: {  	[sflag:s31] =	ssyncadd.s32 $0xFFFFC000  }
0x96: {  	s1 =	sadd.s32 $0xFFFFFFFF, s1;
	_ =	swait.ge [sflag:s31], $0x4000  }
.LBB2_2:
0x97: {  	[sflag:s31] =	ssyncset.done $0x0  }
0x98: {  	[sflag:s31] =	ssyncadd.s32 $0xFFFFC000  }
0x99: {  	_ =	sfence.sel $0x180000  }
0x9a: {  	[bflag:$0x0] =	sbarrier.arrive $0xFFFF  }
0x9b: {  	_ =	strace $0x90000047  }
0x9c: {  	s0 =	stileid.u32;
	[bflag:$0x2] =	sbarrier.arrive $0xFFFF  }
0x9d: {  	p0 =	sne.s32 s0, $0x0;
	s0 =	rddreg [dreg:$0x4]  }
0x9e: {  	s0 =	sadd.s32 @!p0 $0x100000, s0  }
0x9f: {  	[sflag:s0] =	ssyncadd.tile.s32 @!p0 $0x1;
	_ =	shalt  }
.Lfunc_end2:
_tile_overlayer_lowered:
.L_overlay_start_2:
0xa0: {  	(tag) =	ssettag $0x2  }
0xa1: {  	s0 =	rddreg [dreg:$0x0];
	s2 =	stileid.u32  }
0xa2: {  	s1 =	rddreg [dreg:$0x1];
	p0 =	sne.s32 s2, $0x0  }
0xa3: {  	s3 =	rddreg [dreg:$0x2];
	[bflag:$0x3] =	sbarrier.arrive $0xFFFF;
	s2 =	simm.s32 @!p0 $0x1C0B  }
0xa4: {  	[timem:s3], [sflag:s2] =	dma.local @!p0 [hbm:s0], s1  }
0xa5: {  	s0 =	simm.s32 @!p0 $0xB  }
0xa6: {  	_ =	swait.ge @!p0 [sflag:s0], s1  }
0xa7: {  	s1 =	ssub.s32 @!p0 $0x0, s1;
	[sflag:s0] =	ssyncset.done @!p0 $0x0  }
0xa8: {  	[sflag:s0] =	ssyncadd.s32 @!p0 s1  }
0xa9: {  	[bflag:$0x3] =	sbarrier.arrive $0xFFFF  }
0xaa: {  	_ =	shalt  }

</sc_bundles>
